<compile_context>
chip_gen: v7x
topology: tpu7x:2x2x1
jax: 0.10.2.dev20260603
libtpu: 0.0.44.dev20260713+nightly
codegen_flags: <defaults>
</compile_context>

<pallas_src>
import functools

import jax
import jax.numpy as jnp
import numpy as np
from jax import lax
from jax.experimental import pallas as pl
from jax.experimental.pallas import tpu as pltpu
from jax.experimental.pallas import tpu_sc as plsc

K_EMBED = 8192
D_EMBED = 256
COMMIT_W = 0.25

BATCH = 8
SEQ = 1024
N_TOK = BATCH * SEQ

BT = 8192
BK = 2048
TB = N_TOK // BT
KB = K_EMBED // BK

_NBITS = BK.bit_length() - 1
_REV = np.zeros(BK, dtype=np.int32)
for _r in range(BK):
    _b = 0
    for _k in range(_NBITS):
        _b = (_b << 1) | ((_r >> _k) & 1)
    _REV[_r] = _b
_PERM = (np.arange(K_EMBED, dtype=np.int32) // BK) * BK + np.tile(_REV, K_EMBED // BK)
_REVCOL = _REV.astype(np.float32).reshape(BK, 1)

_NC = 2
_NS = 16
_NW = _NC * _NS
_BPW = N_TOK // _NW
_IDX_CHUNK = 128
_NCHUNK = _BPW // _IDX_CHUNK


def _argmin_body(x2_ref, e2_ref, x_ref, e_ref, rev_ref, idx_ref, lsum_ref,
                 best_ref, bidx_ref):
    tb = pl.program_id(0)
    kb = pl.program_id(1)

    mm = lax.dot_general(
        e_ref[...], x_ref[...],
        dimension_numbers=(((1,), (1,)), ((), ())),
        preferred_element_type=jnp.float32)
    s = x2_ref[...] + e2_ref[...]
    dist = s - 2.0 * mm

    v = dist
    i = jnp.broadcast_to(rev_ref[...], (BK, BT))
    h = BK
    while h > 1:
        h //= 2
        lo_v, hi_v = v[:h], v[h:]
        take = hi_v < lo_v
        v = jnp.where(take, hi_v, lo_v)
        i = jnp.where(take, i[h:], i[:h])
    minv = v
    midx = i + (kb * BK).astype(jnp.float32)

    @pl.when(kb == 0)
    def _():
        best_ref[...] = minv
        bidx_ref[...] = midx

    @pl.when(kb > 0)
    def _():
        upd = minv < best_ref[...]
        best_ref[...] = jnp.where(upd, minv, best_ref[...])
        bidx_ref[...] = jnp.where(upd, midx, bidx_ref[...])

    @pl.when((tb == 0) & (kb == 0))
    def _():
        lsum_ref[...] = jnp.zeros((1, 1), jnp.float32)

    @pl.when(kb == KB - 1)
    def _():
        idx_ref[...] = bidx_ref[...].astype(jnp.int32).reshape(1, 1, BT)
        lsum_ref[...] += jnp.sum(best_ref[...]).reshape(1, 1)


def _argmin_call(x2, e2, x_flat, emb):
    return pl.pallas_call(
        _argmin_body,
        grid=(TB, KB),
        in_specs=[
            pl.BlockSpec((1, BT), lambda tb, kb: (0, tb)),
            pl.BlockSpec((BK, 1), lambda tb, kb: (kb, 0)),
            pl.BlockSpec((BT, D_EMBED), lambda tb, kb: (tb, 0)),
            pl.BlockSpec((BK, D_EMBED), lambda tb, kb: (kb, 0)),
            pl.BlockSpec((BK, 1), lambda tb, kb: (0, 0)),
        ],
        out_specs=[
            pl.BlockSpec((1, 1, BT), lambda tb, kb: (tb, 0, 0)),
            pl.BlockSpec((1, 1), lambda tb, kb: (0, 0)),
        ],
        out_shape=[
            jax.ShapeDtypeStruct((TB, 1, BT), jnp.int32),
            jax.ShapeDtypeStruct((1, 1), jnp.float32),
        ],
        scratch_shapes=[
            pltpu.VMEM((1, BT), jnp.float32),
            pltpu.VMEM((1, BT), jnp.float32),
        ],
    )(x2, e2, x_flat, emb, jnp.asarray(_REVCOL))


def _gather_kernel(table_hbm, idx_hbm, out_hbm, idx_v, rows_v, sem):
    wid = lax.axis_index("s") * _NC + lax.axis_index("c")
    base = wid * _BPW
    pltpu.sync_copy(idx_hbm.at[wid], idx_v)
    copies = []
    for j in range(_NCHUNK):
        copies.append(pltpu.async_copy(
            table_hbm.at[idx_v.at[j]],
            rows_v.at[pl.ds(j * _IDX_CHUNK, _IDX_CHUNK)],
            sem))
    for c in copies:
        c.wait()
    pltpu.sync_copy(rows_v, out_hbm.at[pl.ds(base, _BPW)])


def _gather_call(emb, idx):
    mesh = plsc.VectorSubcoreMesh(core_axis_name="c", subcore_axis_name="s")
    fn = functools.partial(
        pl.kernel,
        mesh=mesh,
        out_type=jax.ShapeDtypeStruct((N_TOK, D_EMBED), jnp.float32),
        scratch_types=[
            pltpu.VMEM((_NCHUNK, _IDX_CHUNK), jnp.int32),
            pltpu.VMEM((_BPW, D_EMBED), jnp.float32),
            pltpu.SemaphoreType.DMA,
        ],
    )(_gather_kernel)
    return fn(emb, idx)


def _transpose_body(q_ref, o_ref):
    o_ref[...] = jnp.transpose(q_ref[...], (0, 2, 1))


def _transpose_call(q3):
    return pl.pallas_call(
        _transpose_body,
        grid=(BATCH,),
        in_specs=[pl.BlockSpec((1, SEQ, D_EMBED), lambda b: (b, 0, 0))],
        out_specs=pl.BlockSpec((1, D_EMBED, SEQ), lambda b: (b, 0, 0)),
        out_shape=jax.ShapeDtypeStruct((BATCH, D_EMBED, SEQ), jnp.float32),
    )(q3)


def kernel(x, embedding_weight):
    xt = jnp.transpose(x, (0, 2, 1))
    x_flat = xt.reshape(-1, D_EMBED)
    x2 = jnp.sum(x_flat ** 2, axis=1, keepdims=True).reshape(1, N_TOK)
    emb_rev = jnp.take(embedding_weight, jnp.asarray(_PERM), axis=0)
    e2 = jnp.sum(emb_rev ** 2, axis=1).reshape(K_EMBED, 1)

    idx2, lsum = _argmin_call(x2, e2, x_flat, emb_rev)

    idx_sc = idx2.reshape(_NW, _NCHUNK, _IDX_CHUNK)
    q_flat = _gather_call(embedding_weight, idx_sc)

    quant = _transpose_call(q_flat.reshape(BATCH, SEQ, D_EMBED))

    loss = (1.0 + COMMIT_W) * lsum[0, 0] / jnp.float32(N_TOK * D_EMBED)
    return (quant, loss)

# --- scband reference (transcript-rebuilt; emitter-appended) ---
"""Pipeline reference for scband-vq-quantizer-28630251995620 (READ-ONLY COPY).

The authoritative reference and input builder live on the scoring server;
editing this copy changes nothing except your own understanding.
"""

import jax, jax.numpy as jnp
import numpy as np

NUM_EMBED = 8192
DIM_EMBED = 256
COMMIT_LOSS = 0.25

def setup_inputs(seed: int = 0) -> dict:
    key = jax.random.key(seed)
    k1, k2 = jax.random.split(key)
    x = jax.random.normal(k1, (8, DIM_EMBED, 1024), dtype=jnp.float32)
    embedding_weight = jax.random.uniform(
        k2, (NUM_EMBED, DIM_EMBED), dtype=jnp.float32,
        minval=-1.0 / NUM_EMBED, maxval=1.0 / NUM_EMBED)
    return {"x": x, "embedding_weight": embedding_weight}

def reference(x, embedding_weight):
    # x: [B, D, L] -> permute to [B, L, D]
    xt = jnp.transpose(x, (0, 2, 1))
    x_shape = xt.shape
    x_flat = xt.reshape(-1, DIM_EMBED)
    dist = (jnp.sum(x_flat ** 2, axis=1, keepdims=True)
            + jnp.sum(embedding_weight ** 2, axis=1)
            - 2.0 * jnp.matmul(x_flat, embedding_weight.T))
    embed_indices = jnp.argmin(dist, axis=1)
    embed_matrix = jax.nn.one_hot(embed_indices, NUM_EMBED, dtype=dist.dtype)
    quantizer = jnp.matmul(embed_matrix, embedding_weight).reshape(x_shape)
    first_loss = jnp.mean((quantizer - jax.lax.stop_gradient(xt)) ** 2)
    second_loss = jnp.mean((jax.lax.stop_gradient(quantizer) - xt) ** 2)
    loss = first_loss + COMMIT_LOSS * second_loss
    quantizer = xt + jax.lax.stop_gradient(quantizer - xt)
    quantizer = jnp.transpose(quantizer, (0, 2, 1))
    return (quantizer, loss)

if __name__ == "__main__":
    import jax
    _d = setup_inputs()
    print(jax.jit(kernel)(*tuple(_d.values())))

</pallas_src>

<mosaic_0001>
#map = affine_map<(d0, d1) -> (0, 0)>
#map1 = affine_map<(d0, d1) -> (0, 0, 0)>
module attributes {stable_mosaic.version = 14 : i64} {
  func.func @_gather_kernel(%arg0: i32, %arg1: i32, %arg2: memref<8192x256xf32, #tpu.memory_space<hbm>>, %arg3: memref<32x2x128xi32, #tpu.memory_space<hbm>>, %arg4: memref<8192x256xf32, #tpu.memory_space<hbm>>, %arg5: memref<2x128xi32, #tpu.memory_space<vmem>>, %arg6: memref<256x256xf32, #tpu.memory_space<vmem>>, %arg7: memref<!tpu.dma_semaphore, #tpu.memory_space<semaphore_mem>>) attributes {dimension_semantics = [#tpu.dimension_semantics<core_parallel>, #tpu.dimension_semantics<subcore_parallel>], iteration_bounds = array<i64: 2, 16>, scalar_prefetch = 0 : i64, scratch_operands = 3 : i64, tpu.core_type = #tpu.core_type<sc_vector_subcore>, window_params = [{transform_indices = #map}, {transform_indices = #map1}, {transform_indices = #map}]} {
    %mul3A = arith.constant 2 : i32
    %mul3A_0 = arith.muli %arg1, %mul3A : i32
    %add3A = arith.addi %mul3A_0, %arg0 : i32
    %mul3A_1 = arith.constant 256 : i32
    %mul3A_2 = arith.muli %add3A, %mul3A_1 : i32
    "tpu.region"() ({
      %run_scoped3A = tpu.sem_alloc : memref<!tpu.dma_semaphore, #tpu.memory_space<semaphore_mem>>
      %dma_start3A_41 = arith.constant 0 : i32
      %dma_start3A_42 = arith.constant 0 : i32
      %dma_start3A_43 = tpu.memref_slice %arg3[%add3A, %dma_start3A_41, %dma_start3A_42] : memref<32x2x128xi32, #tpu.memory_space<hbm>> -> memref<1x2x128xi32, #tpu.memory_space<hbm>>
      %dma_start3A_44 = tpu.memref_squeeze %dma_start3A_43 : memref<1x2x128xi32, #tpu.memory_space<hbm>> -> memref<2x128xi32, #tpu.memory_space<hbm>>
      %dma_start3A_45 = arith.constant 0 : i32
      %dma_start3A_46 = arith.constant 0 : i32
      %dma_start3A_47 = tpu.memref_slice %arg3[%add3A, %dma_start3A_45, %dma_start3A_46] : memref<32x2x128xi32, #tpu.memory_space<hbm>> -> memref<1x2x128xi32, #tpu.memory_space<hbm>>
      %dma_start3A_48 = tpu.memref_squeeze %dma_start3A_47 : memref<1x2x128xi32, #tpu.memory_space<hbm>> -> memref<2x128xi32, #tpu.memory_space<hbm>>
      tpu.enqueue_dma source(%dma_start3A_48 : memref<2x128xi32, #tpu.memory_space<hbm>>) target(%arg5 : memref<2x128xi32, #tpu.memory_space<vmem>>) target_semaphore(%run_scoped3A : memref<!tpu.dma_semaphore, #tpu.memory_space<semaphore_mem>>)
      %dma_wait3A_49 = arith.constant 0 : i32
      %dma_wait3A_50 = arith.constant 0 : i32
      %dma_wait3A_51 = tpu.memref_slice %arg3[%add3A, %dma_wait3A_49, %dma_wait3A_50] : memref<32x2x128xi32, #tpu.memory_space<hbm>> -> memref<1x2x128xi32, #tpu.memory_space<hbm>>
      %dma_wait3A_52 = tpu.memref_squeeze %dma_wait3A_51 : memref<1x2x128xi32, #tpu.memory_space<hbm>> -> memref<2x128xi32, #tpu.memory_space<hbm>>
      %dma_wait3A_53 = arith.constant 0 : i32
      %dma_wait3A_54 = arith.constant 0 : i32
      %dma_wait3A_55 = tpu.memref_slice %arg3[%add3A, %dma_wait3A_53, %dma_wait3A_54] : memref<32x2x128xi32, #tpu.memory_space<hbm>> -> memref<1x2x128xi32, #tpu.memory_space<hbm>>
      %dma_wait3A_56 = tpu.memref_squeeze %dma_wait3A_55 : memref<1x2x128xi32, #tpu.memory_space<hbm>> -> memref<2x128xi32, #tpu.memory_space<hbm>>
      tpu.wait_dma2 semaphore(%run_scoped3A : memref<!tpu.dma_semaphore, #tpu.memory_space<semaphore_mem>>) src(%dma_wait3A_56 : memref<2x128xi32, #tpu.memory_space<hbm>>) dst(%arg5 : memref<2x128xi32, #tpu.memory_space<vmem>>)
      tpu.yield
    }) : () -> ()
    %dma_start3A = arith.constant 0 : i32
    %dma_start3A_3 = arith.constant 0 : i32
    %dma_start3A_4 = arith.constant 0 : i32
    %dma_start3A_5 = tpu.memref_slice %arg6[%dma_start3A_3, %dma_start3A_4] : memref<256x256xf32, #tpu.memory_space<vmem>> -> memref<128x256xf32, #tpu.memory_space<vmem>>
    %dma_start3A_6 = arith.constant 0 : i32
    %dma_start3A_7 = tpu.memref_slice %arg5[%dma_start3A, %dma_start3A_6] : memref<2x128xi32, #tpu.memory_space<vmem>> -> memref<1x128xi32, #tpu.memory_space<vmem>>
    %dma_start3A_8 = tpu.memref_squeeze %dma_start3A_7 : memref<1x128xi32, #tpu.memory_space<vmem>> -> memref<128xi32, #tpu.memory_space<vmem>>
    %dma_start3A_9 = arith.constant 0 : i32
    %dma_start3A_10 = arith.constant 0 : i32
    %dma_start3A_11 = tpu.memref_slice %arg2[%dma_start3A_9, %dma_start3A_10] : memref<8192x256xf32, #tpu.memory_space<hbm>> -> memref<8192x256xf32, #tpu.memory_space<hbm>>
    tpu.enqueue_indirect_dma source(%dma_start3A_11 : memref<8192x256xf32, #tpu.memory_space<hbm>>) target(%dma_start3A_5 : memref<128x256xf32, #tpu.memory_space<vmem>>) offsets(%dma_start3A_8 : memref<128xi32, #tpu.memory_space<vmem>>) semaphore(%arg7 : memref<!tpu.dma_semaphore, #tpu.memory_space<semaphore_mem>>)
    %dma_start3A_12 = arith.constant 1 : i32
    %dma_start3A_13 = arith.constant 128 : i32
    %dma_start3A_14 = arith.constant 0 : i32
    %dma_start3A_15 = tpu.memref_slice %arg6[%dma_start3A_13, %dma_start3A_14] : memref<256x256xf32, #tpu.memory_space<vmem>> -> memref<128x256xf32, #tpu.memory_space<vmem>>
    %dma_start3A_16 = arith.constant 0 : i32
    %dma_start3A_17 = tpu.memref_slice %arg5[%dma_start3A_12, %dma_start3A_16] : memref<2x128xi32, #tpu.memory_space<vmem>> -> memref<1x128xi32, #tpu.memory_space<vmem>>
    %dma_start3A_18 = tpu.memref_squeeze %dma_start3A_17 : memref<1x128xi32, #tpu.memory_space<vmem>> -> memref<128xi32, #tpu.memory_space<vmem>>
    %dma_start3A_19 = arith.constant 0 : i32
    %dma_start3A_20 = arith.constant 0 : i32
    %dma_start3A_21 = tpu.memref_slice %arg2[%dma_start3A_19, %dma_start3A_20] : memref<8192x256xf32, #tpu.memory_space<hbm>> -> memref<8192x256xf32, #tpu.memory_space<hbm>>
    tpu.enqueue_indirect_dma source(%dma_start3A_21 : memref<8192x256xf32, #tpu.memory_space<hbm>>) target(%dma_start3A_15 : memref<128x256xf32, #tpu.memory_space<vmem>>) offsets(%dma_start3A_18 : memref<128xi32, #tpu.memory_space<vmem>>) semaphore(%arg7 : memref<!tpu.dma_semaphore, #tpu.memory_space<semaphore_mem>>)
    %dma_wait3A = arith.constant 0 : i32
    %dma_wait3A_22 = arith.constant 0 : i32
    %dma_wait3A_23 = arith.constant 0 : i32
    %dma_wait3A_24 = tpu.memref_slice %arg6[%dma_wait3A_22, %dma_wait3A_23] : memref<256x256xf32, #tpu.memory_space<vmem>> -> memref<128x256xf32, #tpu.memory_space<vmem>>
    %dma_wait3A_25 = arith.constant 0 : i32
    %dma_wait3A_26 = tpu.memref_slice %arg5[%dma_wait3A, %dma_wait3A_25] : memref<2x128xi32, #tpu.memory_space<vmem>> -> memref<1x128xi32, #tpu.memory_space<vmem>>
    %dma_wait3A_27 = tpu.memref_squeeze %dma_wait3A_26 : memref<1x128xi32, #tpu.memory_space<vmem>> -> memref<128xi32, #tpu.memory_space<vmem>>
    %dma_wait3A_28 = arith.constant 0 : i32
    %dma_wait3A_29 = arith.constant 0 : i32
    %dma_wait3A_30 = tpu.memref_slice %arg2[%dma_wait3A_28, %dma_wait3A_29] : memref<8192x256xf32, #tpu.memory_space<hbm>> -> memref<8192x256xf32, #tpu.memory_space<hbm>>
    tpu.wait_indirect_dma semaphore(%arg7 : memref<!tpu.dma_semaphore, #tpu.memory_space<semaphore_mem>>) src(%dma_wait3A_30 : memref<8192x256xf32, #tpu.memory_space<hbm>>) dst(%dma_wait3A_24 : memref<128x256xf32, #tpu.memory_space<vmem>>)
    %dma_wait3A_31 = arith.constant 1 : i32
    %dma_wait3A_32 = arith.constant 128 : i32
    %dma_wait3A_33 = arith.constant 0 : i32
    %dma_wait3A_34 = tpu.memref_slice %arg6[%dma_wait3A_32, %dma_wait3A_33] : memref<256x256xf32, #tpu.memory_space<vmem>> -> memref<128x256xf32, #tpu.memory_space<vmem>>
    %dma_wait3A_35 = arith.constant 0 : i32
    %dma_wait3A_36 = tpu.memref_slice %arg5[%dma_wait3A_31, %dma_wait3A_35] : memref<2x128xi32, #tpu.memory_space<vmem>> -> memref<1x128xi32, #tpu.memory_space<vmem>>
    %dma_wait3A_37 = tpu.memref_squeeze %dma_wait3A_36 : memref<1x128xi32, #tpu.memory_space<vmem>> -> memref<128xi32, #tpu.memory_space<vmem>>
    %dma_wait3A_38 = arith.constant 0 : i32
    %dma_wait3A_39 = arith.constant 0 : i32
    %dma_wait3A_40 = tpu.memref_slice %arg2[%dma_wait3A_38, %dma_wait3A_39] : memref<8192x256xf32, #tpu.memory_space<hbm>> -> memref<8192x256xf32, #tpu.memory_space<hbm>>
    tpu.wait_indirect_dma semaphore(%arg7 : memref<!tpu.dma_semaphore, #tpu.memory_space<semaphore_mem>>) src(%dma_wait3A_40 : memref<8192x256xf32, #tpu.memory_space<hbm>>) dst(%dma_wait3A_34 : memref<128x256xf32, #tpu.memory_space<vmem>>)
    "tpu.region"() ({
      %run_scoped3A = tpu.sem_alloc : memref<!tpu.dma_semaphore, #tpu.memory_space<semaphore_mem>>
      %dma_start3A_41 = arith.constant 0 : i32
      %dma_start3A_42 = tpu.memref_slice %arg4[%mul3A_2, %dma_start3A_41] : memref<8192x256xf32, #tpu.memory_space<hbm>> -> memref<256x256xf32, #tpu.memory_space<hbm>>
      %dma_start3A_43 = arith.constant 0 : i32
      %dma_start3A_44 = tpu.memref_slice %arg4[%mul3A_2, %dma_start3A_43] : memref<8192x256xf32, #tpu.memory_space<hbm>> -> memref<256x256xf32, #tpu.memory_space<hbm>>
      tpu.enqueue_dma source(%arg6 : memref<256x256xf32, #tpu.memory_space<vmem>>) target(%dma_start3A_44 : memref<256x256xf32, #tpu.memory_space<hbm>>) target_semaphore(%run_scoped3A : memref<!tpu.dma_semaphore, #tpu.memory_space<semaphore_mem>>)
      %dma_wait3A_45 = arith.constant 0 : i32
      %dma_wait3A_46 = tpu.memref_slice %arg4[%mul3A_2, %dma_wait3A_45] : memref<8192x256xf32, #tpu.memory_space<hbm>> -> memref<256x256xf32, #tpu.memory_space<hbm>>
      %dma_wait3A_47 = arith.constant 0 : i32
      %dma_wait3A_48 = tpu.memref_slice %arg4[%mul3A_2, %dma_wait3A_47] : memref<8192x256xf32, #tpu.memory_space<hbm>> -> memref<256x256xf32, #tpu.memory_space<hbm>>
      tpu.wait_dma2 semaphore(%run_scoped3A : memref<!tpu.dma_semaphore, #tpu.memory_space<semaphore_mem>>) src(%arg6 : memref<256x256xf32, #tpu.memory_space<vmem>>) dst(%dma_wait3A_48 : memref<256x256xf32, #tpu.memory_space<hbm>>)
      tpu.yield
    }) : () -> ()
    return
  }
}

module attributes {stable_mosaic.version = 14 : i64} {
  func.func @_argmin_body(%arg0: i32, %arg1: i32, %arg2: memref<1x8192xf32, #tpu.memory_space<vmem>>, %arg3: memref<2048x1xf32, #tpu.memory_space<vmem>>, %arg4: memref<8192x256xf32, #tpu.memory_space<vmem>>, %arg5: memref<2048x256xf32, #tpu.memory_space<vmem>>, %arg6: memref<2048x1xf32, #tpu.memory_space<vmem>>, %arg7: memref<1x1x8192xi32, #tpu.memory_space<vmem>>, %arg8: memref<1x1xf32, #tpu.memory_space<vmem>>, %arg9: memref<1x8192xf32, #tpu.memory_space<vmem>>, %arg10: memref<1x8192xf32, #tpu.memory_space<vmem>>) attributes {dimension_semantics = [#tpu.dimension_semantics<arbitrary>, #tpu.dimension_semantics<arbitrary>], iteration_bounds = array<i64: 1, 4>, scalar_prefetch = 0 : i64, scratch_operands = 2 : i64, tpu.core_type = #tpu.core_type<tc>, window_params = [{transform_indices = @transform_0, window_bounds = array<i64: 1, 8192>}, {transform_indices = @transform_1, window_bounds = array<i64: 2048, 1>}, {transform_indices = @transform_2, window_bounds = array<i64: 8192, 256>}, {transform_indices = @transform_3, window_bounds = array<i64: 2048, 256>}, {pipeline_mode = #tpu.pipeline_mode<synchronous>, transform_indices = @transform_4, window_bounds = array<i64: 2048, 1>}, {transform_indices = @transform_5, window_bounds = array<i64: 1, 1, 8192>}, {pipeline_mode = #tpu.pipeline_mode<synchronous>, transform_indices = @transform_6, window_bounds = array<i64: 1, 1>}]} {
    %get3A = arith.constant 0 : index
    %get3A_0 = arith.constant 0 : index
    %get3A_1 = vector.load %arg5[%get3A, %get3A_0] : memref<2048x256xf32, #tpu.memory_space<vmem>>, vector<2048x256xf32>
    %get3A_2 = arith.constant 0 : index
    %get3A_3 = arith.constant 0 : index
    %get3A_4 = vector.load %arg4[%get3A_2, %get3A_3] : memref<8192x256xf32, #tpu.memory_space<vmem>>, vector<8192x256xf32>
    %dot_general3A = arith.constant dense<0.000000e+00> : vector<2048x8192xf32>
    %dot_general3A_5 = tpu.matmul %get3A_1, %get3A_4, %dot_general3A {dimension_numbers = #tpu.dot_dimension_numbers<[1], [1], [0], [0], [0, 0, 1, 0], [], []>, transpose_lhs_hint = false} : vector<2048x256xf32>, vector<8192x256xf32>, vector<2048x8192xf32> -> vector<2048x8192xf32>
    %get3A_6 = arith.constant 0 : index
    %get3A_7 = arith.constant 0 : index
    %get3A_8 = vector.load %arg2[%get3A_6, %get3A_7] : memref<1x8192xf32, #tpu.memory_space<vmem>>, vector<1x8192xf32>
    %get3A_9 = arith.constant 0 : index
    %get3A_10 = arith.constant 0 : index
    %get3A_11 = vector.load %arg3[%get3A_9, %get3A_10] : memref<2048x1xf32, #tpu.memory_space<vmem>>, vector<2048x1xf32>
    %add3A = vector.broadcast %get3A_8 : vector<1x8192xf32> to vector<2048x8192xf32>
    %add3A_12 = vector.broadcast %get3A_11 : vector<2048x1xf32> to vector<2048x8192xf32>
    %add3A_13 = arith.addf %add3A, %add3A_12 : vector<2048x8192xf32>
    %mul3A = arith.constant 2.000000e+00 : f32
    %mul3A_14 = vector.broadcast %mul3A : f32 to vector<2048x8192xf32>
    %mul3A_15 = arith.mulf %mul3A_14, %dot_general3A_5 : vector<2048x8192xf32>
    %sub3A = arith.subf %add3A_13, %mul3A_15 : vector<2048x8192xf32>
    %get3A_16 = arith.constant 0 : index
    %get3A_17 = arith.constant 0 : index
    %get3A_18 = vector.load %arg6[%get3A_16, %get3A_17] : memref<2048x1xf32, #tpu.memory_space<vmem>>, vector<2048x1xf32>
    %broadcast_in_dim3A = vector.shape_cast %get3A_18 : vector<2048x1xf32> to vector<2048x1xf32>
    %broadcast_in_dim3A_19 = vector.broadcast %broadcast_in_dim3A : vector<2048x1xf32> to vector<2048x8192xf32>
    %slice3A = vector.extract_strided_slice %sub3A {offsets = [0, 0], sizes = [1024, 8192], strides = [1, 1]} : vector<2048x8192xf32> to vector<1024x8192xf32>
    %slice3A_20 = vector.extract_strided_slice %sub3A {offsets = [1024, 0], sizes = [1024, 8192], strides = [1, 1]} : vector<2048x8192xf32> to vector<1024x8192xf32>
    %lt3A = arith.cmpf olt, %slice3A_20, %slice3A : vector<1024x8192xf32>
    %select_n3A = arith.select %lt3A, %slice3A_20, %slice3A : vector<1024x8192xi1>, vector<1024x8192xf32>
    %slice3A_21 = vector.extract_strided_slice %broadcast_in_dim3A_19 {offsets = [1024, 0], sizes = [1024, 8192], strides = [1, 1]} : vector<2048x8192xf32> to vector<1024x8192xf32>
    %slice3A_22 = vector.extract_strided_slice %broadcast_in_dim3A_19 {offsets = [0, 0], sizes = [1024, 8192], strides = [1, 1]} : vector<2048x8192xf32> to vector<1024x8192xf32>
    %select_n3A_23 = arith.select %lt3A, %slice3A_21, %slice3A_22 : vector<1024x8192xi1>, vector<1024x8192xf32>
    %slice3A_24 = vector.extract_strided_slice %select_n3A {offsets = [0, 0], sizes = [512, 8192], strides = [1, 1]} : vector<1024x8192xf32> to vector<512x8192xf32>
    %slice3A_25 = vector.extract_strided_slice %select_n3A {offsets = [512, 0], sizes = [512, 8192], strides = [1, 1]} : vector<1024x8192xf32> to vector<512x8192xf32>
    %lt3A_26 = arith.cmpf olt, %slice3A_25, %slice3A_24 : vector<512x8192xf32>
    %select_n3A_27 = arith.select %lt3A_26, %slice3A_25, %slice3A_24 : vector<512x8192xi1>, vector<512x8192xf32>
    %slice3A_28 = vector.extract_strided_slice %select_n3A_23 {offsets = [512, 0], sizes = [512, 8192], strides = [1, 1]} : vector<1024x8192xf32> to vector<512x8192xf32>
    %slice3A_29 = vector.extract_strided_slice %select_n3A_23 {offsets = [0, 0], sizes = [512, 8192], strides = [1, 1]} : vector<1024x8192xf32> to vector<512x8192xf32>
    %select_n3A_30 = arith.select %lt3A_26, %slice3A_28, %slice3A_29 : vector<512x8192xi1>, vector<512x8192xf32>
    %slice3A_31 = vector.extract_strided_slice %select_n3A_27 {offsets = [0, 0], sizes = [256, 8192], strides = [1, 1]} : vector<512x8192xf32> to vector<256x8192xf32>
    %slice3A_32 = vector.extract_strided_slice %select_n3A_27 {offsets = [256, 0], sizes = [256, 8192], strides = [1, 1]} : vector<512x8192xf32> to vector<256x8192xf32>
    %lt3A_33 = arith.cmpf olt, %slice3A_32, %slice3A_31 : vector<256x8192xf32>
    %select_n3A_34 = arith.select %lt3A_33, %slice3A_32, %slice3A_31 : vector<256x8192xi1>, vector<256x8192xf32>
    %slice3A_35 = vector.extract_strided_slice %select_n3A_30 {offsets = [256, 0], sizes = [256, 8192], strides = [1, 1]} : vector<512x8192xf32> to vector<256x8192xf32>
    %slice3A_36 = vector.extract_strided_slice %select_n3A_30 {offsets = [0, 0], sizes = [256, 8192], strides = [1, 1]} : vector<512x8192xf32> to vector<256x8192xf32>
    %select_n3A_37 = arith.select %lt3A_33, %slice3A_35, %slice3A_36 : vector<256x8192xi1>, vector<256x8192xf32>
    %slice3A_38 = vector.extract_strided_slice %select_n3A_34 {offsets = [0, 0], sizes = [128, 8192], strides = [1, 1]} : vector<256x8192xf32> to vector<128x8192xf32>
    %slice3A_39 = vector.extract_strided_slice %select_n3A_34 {offsets = [128, 0], sizes = [128, 8192], strides = [1, 1]} : vector<256x8192xf32> to vector<128x8192xf32>
    %lt3A_40 = arith.cmpf olt, %slice3A_39, %slice3A_38 : vector<128x8192xf32>
    %select_n3A_41 = arith.select %lt3A_40, %slice3A_39, %slice3A_38 : vector<128x8192xi1>, vector<128x8192xf32>
    %slice3A_42 = vector.extract_strided_slice %select_n3A_37 {offsets = [128, 0], sizes = [128, 8192], strides = [1, 1]} : vector<256x8192xf32> to vector<128x8192xf32>
    %slice3A_43 = vector.extract_strided_slice %select_n3A_37 {offsets = [0, 0], sizes = [128, 8192], strides = [1, 1]} : vector<256x8192xf32> to vector<128x8192xf32>
    %select_n3A_44 = arith.select %lt3A_40, %slice3A_42, %slice3A_43 : vector<128x8192xi1>, vector<128x8192xf32>
    %slice3A_45 = vector.extract_strided_slice %select_n3A_41 {offsets = [0, 0], sizes = [64, 8192], strides = [1, 1]} : vector<128x8192xf32> to vector<64x8192xf32>
    %slice3A_46 = vector.extract_strided_slice %select_n3A_41 {offsets = [64, 0], sizes = [64, 8192], strides = [1, 1]} : vector<128x8192xf32> to vector<64x8192xf32>
    %lt3A_47 = arith.cmpf olt, %slice3A_46, %slice3A_45 : vector<64x8192xf32>
    %select_n3A_48 = arith.select %lt3A_47, %slice3A_46, %slice3A_45 : vector<64x8192xi1>, vector<64x8192xf32>
    %slice3A_49 = vector.extract_strided_slice %select_n3A_44 {offsets = [64, 0], sizes = [64, 8192], strides = [1, 1]} : vector<128x8192xf32> to vector<64x8192xf32>
    %slice3A_50 = vector.extract_strided_slice %select_n3A_44 {offsets = [0, 0], sizes = [64, 8192], strides = [1, 1]} : vector<128x8192xf32> to vector<64x8192xf32>
    %select_n3A_51 = arith.select %lt3A_47, %slice3A_49, %slice3A_50 : vector<64x8192xi1>, vector<64x8192xf32>
    %slice3A_52 = vector.extract_strided_slice %select_n3A_48 {offsets = [0, 0], sizes = [32, 8192], strides = [1, 1]} : vector<64x8192xf32> to vector<32x8192xf32>
    %slice3A_53 = vector.extract_strided_slice %select_n3A_48 {offsets = [32, 0], sizes = [32, 8192], strides = [1, 1]} : vector<64x8192xf32> to vector<32x8192xf32>
    %lt3A_54 = arith.cmpf olt, %slice3A_53, %slice3A_52 : vector<32x8192xf32>
    %select_n3A_55 = arith.select %lt3A_54, %slice3A_53, %slice3A_52 : vector<32x8192xi1>, vector<32x8192xf32>
    %slice3A_56 = vector.extract_strided_slice %select_n3A_51 {offsets = [32, 0], sizes = [32, 8192], strides = [1, 1]} : vector<64x8192xf32> to vector<32x8192xf32>
    %slice3A_57 = vector.extract_strided_slice %select_n3A_51 {offsets = [0, 0], sizes = [32, 8192], strides = [1, 1]} : vector<64x8192xf32> to vector<32x8192xf32>
    %select_n3A_58 = arith.select %lt3A_54, %slice3A_56, %slice3A_57 : vector<32x8192xi1>, vector<32x8192xf32>
    %slice3A_59 = vector.extract_strided_slice %select_n3A_55 {offsets = [0, 0], sizes = [16, 8192], strides = [1, 1]} : vector<32x8192xf32> to vector<16x8192xf32>
    %slice3A_60 = vector.extract_strided_slice %select_n3A_55 {offsets = [16, 0], sizes = [16, 8192], strides = [1, 1]} : vector<32x8192xf32> to vector<16x8192xf32>
    %lt3A_61 = arith.cmpf olt, %slice3A_60, %slice3A_59 : vector<16x8192xf32>
    %select_n3A_62 = arith.select %lt3A_61, %slice3A_60, %slice3A_59 : vector<16x8192xi1>, vector<16x8192xf32>
    %slice3A_63 = vector.extract_strided_slice %select_n3A_58 {offsets = [16, 0], sizes = [16, 8192], strides = [1, 1]} : vector<32x8192xf32> to vector<16x8192xf32>
    %slice3A_64 = vector.extract_strided_slice %select_n3A_58 {offsets = [0, 0], sizes = [16, 8192], strides = [1, 1]} : vector<32x8192xf32> to vector<16x8192xf32>
    %select_n3A_65 = arith.select %lt3A_61, %slice3A_63, %slice3A_64 : vector<16x8192xi1>, vector<16x8192xf32>
    %slice3A_66 = vector.extract_strided_slice %select_n3A_62 {offsets = [0, 0], sizes = [8, 8192], strides = [1, 1]} : vector<16x8192xf32> to vector<8x8192xf32>
    %slice3A_67 = vector.extract_strided_slice %select_n3A_62 {offsets = [8, 0], sizes = [8, 8192], strides = [1, 1]} : vector<16x8192xf32> to vector<8x8192xf32>
    %lt3A_68 = arith.cmpf olt, %slice3A_67, %slice3A_66 : vector<8x8192xf32>
    %select_n3A_69 = arith.select %lt3A_68, %slice3A_67, %slice3A_66 : vector<8x8192xi1>, vector<8x8192xf32>
    %slice3A_70 = vector.extract_strided_slice %select_n3A_65 {offsets = [8, 0], sizes = [8, 8192], strides = [1, 1]} : vector<16x8192xf32> to vector<8x8192xf32>
    %slice3A_71 = vector.extract_strided_slice %select_n3A_65 {offsets = [0, 0], sizes = [8, 8192], strides = [1, 1]} : vector<16x8192xf32> to vector<8x8192xf32>
    %select_n3A_72 = arith.select %lt3A_68, %slice3A_70, %slice3A_71 : vector<8x8192xi1>, vector<8x8192xf32>
    %slice3A_73 = vector.extract_strided_slice %select_n3A_69 {offsets = [0, 0], sizes = [4, 8192], strides = [1, 1]} : vector<8x8192xf32> to vector<4x8192xf32>
    %slice3A_74 = vector.extract_strided_slice %select_n3A_69 {offsets = [4, 0], sizes = [4, 8192], strides = [1, 1]} : vector<8x8192xf32> to vector<4x8192xf32>
    %lt3A_75 = arith.cmpf olt, %slice3A_74, %slice3A_73 : vector<4x8192xf32>
    %select_n3A_76 = arith.select %lt3A_75, %slice3A_74, %slice3A_73 : vector<4x8192xi1>, vector<4x8192xf32>
    %slice3A_77 = vector.extract_strided_slice %select_n3A_72 {offsets = [4, 0], sizes = [4, 8192], strides = [1, 1]} : vector<8x8192xf32> to vector<4x8192xf32>
    %slice3A_78 = vector.extract_strided_slice %select_n3A_72 {offsets = [0, 0], sizes = [4, 8192], strides = [1, 1]} : vector<8x8192xf32> to vector<4x8192xf32>
    %select_n3A_79 = arith.select %lt3A_75, %slice3A_77, %slice3A_78 : vector<4x8192xi1>, vector<4x8192xf32>
    %slice3A_80 = vector.extract_strided_slice %select_n3A_76 {offsets = [0, 0], sizes = [2, 8192], strides = [1, 1]} : vector<4x8192xf32> to vector<2x8192xf32>
    %slice3A_81 = vector.extract_strided_slice %select_n3A_76 {offsets = [2, 0], sizes = [2, 8192], strides = [1, 1]} : vector<4x8192xf32> to vector<2x8192xf32>
    %lt3A_82 = arith.cmpf olt, %slice3A_81, %slice3A_80 : vector<2x8192xf32>
    %select_n3A_83 = arith.select %lt3A_82, %slice3A_81, %slice3A_80 : vector<2x8192xi1>, vector<2x8192xf32>
    %slice3A_84 = vector.extract_strided_slice %select_n3A_79 {offsets = [2, 0], sizes = [2, 8192], strides = [1, 1]} : vector<4x8192xf32> to vector<2x8192xf32>
    %slice3A_85 = vector.extract_strided_slice %select_n3A_79 {offsets = [0, 0], sizes = [2, 8192], strides = [1, 1]} : vector<4x8192xf32> to vector<2x8192xf32>
    %select_n3A_86 = arith.select %lt3A_82, %slice3A_84, %slice3A_85 : vector<2x8192xi1>, vector<2x8192xf32>
    %slice3A_87 = vector.extract_strided_slice %select_n3A_83 {offsets = [0, 0], sizes = [1, 8192], strides = [1, 1]} : vector<2x8192xf32> to vector<1x8192xf32>
    %slice3A_88 = vector.extract_strided_slice %select_n3A_83 {offsets = [1, 0], sizes = [1, 8192], strides = [1, 1]} : vector<2x8192xf32> to vector<1x8192xf32>
    %lt3A_89 = arith.cmpf olt, %slice3A_88, %slice3A_87 : vector<1x8192xf32>
    %select_n3A_90 = arith.select %lt3A_89, %slice3A_88, %slice3A_87 : vector<1x8192xi1>, vector<1x8192xf32>
    %slice3A_91 = vector.extract_strided_slice %select_n3A_86 {offsets = [1, 0], sizes = [1, 8192], strides = [1, 1]} : vector<2x8192xf32> to vector<1x8192xf32>
    %slice3A_92 = vector.extract_strided_slice %select_n3A_86 {offsets = [0, 0], sizes = [1, 8192], strides = [1, 1]} : vector<2x8192xf32> to vector<1x8192xf32>
    %select_n3A_93 = arith.select %lt3A_89, %slice3A_91, %slice3A_92 : vector<1x8192xi1>, vector<1x8192xf32>
    %mul3A_94 = arith.constant 2048 : i32
    %mul3A_95 = arith.muli %arg1, %mul3A_94 : i32
    %convert_element_type3A = arith.sitofp %mul3A_95 : i32 to f32
    %add3A_96 = vector.broadcast %convert_element_type3A : f32 to vector<1x8192xf32>
    %add3A_97 = arith.addf %select_n3A_93, %add3A_96 : vector<1x8192xf32>
    %eq3A = arith.constant 0 : i32
    %eq3A_98 = arith.cmpi eq, %arg1, %eq3A : i32
    %convert_element_type3A_99 = arith.extui %eq3A_98 : i1 to i32
    %cond3A = arith.constant 0 : i32
    %cond3A_100 = arith.cmpi ne, %convert_element_type3A_99, %cond3A : i32
    scf.if %cond3A_100 {
      %swap3A = arith.constant 0 : index
      %swap3A_117 = arith.constant 0 : index
      %swap3A_118 = vector.load %arg9[%swap3A, %swap3A_117] : memref<1x8192xf32, #tpu.memory_space<vmem>>, vector<1x8192xf32>
      tpu.vector_store %arg9[%swap3A, %swap3A_117], %select_n3A_90 {strides = array<i32>} : memref<1x8192xf32, #tpu.memory_space<vmem>>, vector<1x8192xf32>,
      %swap3A_119 = arith.constant 0 : index
      %swap3A_120 = arith.constant 0 : index
      %swap3A_121 = vector.load %arg10[%swap3A_119, %swap3A_120] : memref<1x8192xf32, #tpu.memory_space<vmem>>, vector<1x8192xf32>
      tpu.vector_store %arg10[%swap3A_119, %swap3A_120], %add3A_97 {strides = array<i32>} : memref<1x8192xf32, #tpu.memory_space<vmem>>, vector<1x8192xf32>,
    } else {
    }
    %gt3A = arith.constant 0 : i32
    %gt3A_101 = arith.cmpi sgt, %arg1, %gt3A : i32
    %convert_element_type3A_102 = arith.extui %gt3A_101 : i1 to i32
    %cond3A_103 = arith.constant 0 : i32
    %cond3A_104 = arith.cmpi ne, %convert_element_type3A_102, %cond3A_103 : i32
    scf.if %cond3A_104 {
      %get3A_117 = arith.constant 0 : index
      %get3A_118 = arith.constant 0 : index
      %get3A_119 = vector.load %arg9[%get3A_117, %get3A_118] : memref<1x8192xf32, #tpu.memory_space<vmem>>, vector<1x8192xf32>
      %lt3A_120 = arith.cmpf olt, %select_n3A_90, %get3A_119 : vector<1x8192xf32>
      %get3A_121 = arith.constant 0 : index
      %get3A_122 = arith.constant 0 : index
      %get3A_123 = vector.load %arg9[%get3A_121, %get3A_122] : memref<1x8192xf32, #tpu.memory_space<vmem>>, vector<1x8192xf32>
      %select_n3A_124 = arith.select %lt3A_120, %select_n3A_90, %get3A_123 : vector<1x8192xi1>, vector<1x8192xf32>
      %swap3A = arith.constant 0 : index
      %swap3A_125 = arith.constant 0 : index
      %swap3A_126 = vector.load %arg9[%swap3A, %swap3A_125] : memref<1x8192xf32, #tpu.memory_space<vmem>>, vector<1x8192xf32>
      tpu.vector_store %arg9[%swap3A, %swap3A_125], %select_n3A_124 {strides = array<i32>} : memref<1x8192xf32, #tpu.memory_space<vmem>>, vector<1x8192xf32>,
      %get3A_127 = arith.constant 0 : index
      %get3A_128 = arith.constant 0 : index
      %get3A_129 = vector.load %arg10[%get3A_127, %get3A_128] : memref<1x8192xf32, #tpu.memory_space<vmem>>, vector<1x8192xf32>
      %select_n3A_130 = arith.select %lt3A_120, %add3A_97, %get3A_129 : vector<1x8192xi1>, vector<1x8192xf32>
      %swap3A_131 = arith.constant 0 : index
      %swap3A_132 = arith.constant 0 : index
      %swap3A_133 = vector.load %arg10[%swap3A_131, %swap3A_132] : memref<1x8192xf32, #tpu.memory_space<vmem>>, vector<1x8192xf32>
      tpu.vector_store %arg10[%swap3A_131, %swap3A_132], %select_n3A_130 {strides = array<i32>} : memref<1x8192xf32, #tpu.memory_space<vmem>>, vector<1x8192xf32>,
    } else {
    }
    %eq3A_105 = arith.constant 0 : i32
    %eq3A_106 = arith.cmpi eq, %arg0, %eq3A_105 : i32
    %eq3A_107 = arith.constant 0 : i32
    %eq3A_108 = arith.cmpi eq, %arg1, %eq3A_107 : i32
    %and3A = arith.andi %eq3A_106, %eq3A_108 : i1
    %convert_element_type3A_109 = arith.extui %and3A : i1 to i32
    %cond3A_110 = arith.constant 0 : i32
    %cond3A_111 = arith.cmpi ne, %convert_element_type3A_109, %cond3A_110 : i32
    scf.if %cond3A_111 {
      %broadcast_in_dim3A_117 = arith.constant 0.000000e+00 : f32
      %broadcast_in_dim3A_118 = vector.broadcast %broadcast_in_dim3A_117 : f32 to vector<1x1xf32>
      %swap3A = arith.constant 0 : index
      %swap3A_119 = arith.constant 0 : index
      %swap3A_120 = vector.load %arg8[%swap3A, %swap3A_119] : memref<1x1xf32, #tpu.memory_space<vmem>>, vector<1x1xf32>
      tpu.vector_store %arg8[%swap3A, %swap3A_119], %broadcast_in_dim3A_118 {strides = array<i32>} : memref<1x1xf32, #tpu.memory_space<vmem>>, vector<1x1xf32>,
    } else {
    }
    %eq3A_112 = arith.constant 3 : i32
    %eq3A_113 = arith.cmpi eq, %arg1, %eq3A_112 : i32
    %convert_element_type3A_114 = arith.extui %eq3A_113 : i1 to i32
    %cond3A_115 = arith.constant 0 : i32
    %cond3A_116 = arith.cmpi ne, %convert_element_type3A_114, %cond3A_115 : i32
    scf.if %cond3A_116 {
      %get3A_117 = arith.constant 0 : index
      %get3A_118 = arith.constant 0 : index
      %get3A_119 = vector.load %arg10[%get3A_117, %get3A_118] : memref<1x8192xf32, #tpu.memory_space<vmem>>, vector<1x8192xf32>
      %convert_element_type3A_120 = arith.fptosi %get3A_119 : vector<1x8192xf32> to vector<1x8192xi32>
      %reshape3A = vector.shape_cast %convert_element_type3A_120 : vector<1x8192xi32> to vector<1x1x8192xi32>
      %swap3A = arith.constant 0 : index
      %swap3A_121 = arith.constant 0 : index
      %swap3A_122 = arith.constant 0 : index
      %swap3A_123 = vector.load %arg7[%swap3A, %swap3A_121, %swap3A_122] : memref<1x1x8192xi32, #tpu.memory_space<vmem>>, vector<1x1x8192xi32>
      tpu.vector_store %arg7[%swap3A, %swap3A_121, %swap3A_122], %reshape3A {strides = array<i32>} : memref<1x1x8192xi32, #tpu.memory_space<vmem>>, vector<1x1x8192xi32>,
      %get3A_124 = arith.constant 0 : index
      %get3A_125 = arith.constant 0 : index
      %get3A_126 = vector.load %arg8[%get3A_124, %get3A_125] : memref<1x1xf32, #tpu.memory_space<vmem>>, vector<1x1xf32>
      %get3A_127 = arith.constant 0 : index
      %get3A_128 = arith.constant 0 : index
      %get3A_129 = vector.load %arg9[%get3A_127, %get3A_128] : memref<1x8192xf32, #tpu.memory_space<vmem>>, vector<1x8192xf32>
      %reduce_sum3A = vector.shape_cast %get3A_129 : vector<1x8192xf32> to vector<1x1x8192xf32>
      %reduce_sum3A_130 = arith.constant dense<0.000000e+00> : vector<1xf32>
      %reduce_sum3A_131 = vector.multi_reduction <add>, %reduce_sum3A, %reduce_sum3A_130 [1, 2] : vector<1x1x8192xf32> to vector<1xf32>
      %reduce_sum3A_132 = vector.shape_cast %reduce_sum3A_131 : vector<1xf32> to vector<1x1x1xf32>
      %reduce_sum3A_133 = vector.extract %reduce_sum3A_132[0, 0, 0] : f32 from vector<1x1x1xf32>
      %reshape3A_134 = vector.broadcast %reduce_sum3A_133 : f32 to vector<1x1xf32>
      %add3A_135 = arith.addf %get3A_126, %reshape3A_134 : vector<1x1xf32>
      %swap3A_136 = arith.constant 0 : index
      %swap3A_137 = arith.constant 0 : index
      %swap3A_138 = vector.load %arg8[%swap3A_136, %swap3A_137] : memref<1x1xf32, #tpu.memory_space<vmem>>, vector<1x1xf32>
      tpu.vector_store %arg8[%swap3A_136, %swap3A_137], %add3A_135 {strides = array<i32>} : memref<1x1xf32, #tpu.memory_space<vmem>>, vector<1x1xf32>,
    } else {
    }
    return
  }
  func.func @transform_0(%arg0: i32, %arg1: i32) -> (i32, i32) {
    %c0_i32 = arith.constant 0 : i32
    %c0_i32_0 = arith.constant 0 : i32
    return %c0_i32, %arg0 : i32, i32
  }
  func.func @transform_1(%arg0: i32, %arg1: i32) -> (i32, i32) {
    %c0_i32 = arith.constant 0 : i32
    %c0_i32_0 = arith.constant 0 : i32
    return %arg1, %c0_i32 : i32, i32
  }
  func.func @transform_2(%arg0: i32, %arg1: i32) -> (i32, i32) {
    %c0_i32 = arith.constant 0 : i32
    %c0_i32_0 = arith.constant 0 : i32
    return %arg0, %c0_i32 : i32, i32
  }
  func.func @transform_3(%arg0: i32, %arg1: i32) -> (i32, i32) {
    %c0_i32 = arith.constant 0 : i32
    %c0_i32_0 = arith.constant 0 : i32
    return %arg1, %c0_i32 : i32, i32
  }
  func.func @transform_4(%arg0: i32, %arg1: i32) -> (i32, i32) {
    %c0_i32 = arith.constant 0 : i32
    %c0_i32_0 = arith.constant 0 : i32
    %c0_i32_1 = arith.constant 0 : i32
    return %c0_i32, %c0_i32_0 : i32, i32
  }
  func.func @transform_5(%arg0: i32, %arg1: i32) -> (i32, i32, i32) {
    %c0_i32 = arith.constant 0 : i32
    %c0_i32_0 = arith.constant 0 : i32
    %c0_i32_1 = arith.constant 0 : i32
    return %arg0, %c0_i32, %c0_i32_0 : i32, i32, i32
  }
  func.func @transform_6(%arg0: i32, %arg1: i32) -> (i32, i32) {
    %c0_i32 = arith.constant 0 : i32
    %c0_i32_0 = arith.constant 0 : i32
    %c0_i32_1 = arith.constant 0 : i32
    return %c0_i32, %c0_i32_0 : i32, i32
  }
}

module attributes {stable_mosaic.version = 14 : i64} {
  func.func @_transpose_body(%arg0: i32, %arg1: memref<1x1024x256xf32, #tpu.memory_space<vmem>>, %arg2: memref<1x256x1024xf32, #tpu.memory_space<vmem>>) attributes {dimension_semantics = [#tpu.dimension_semantics<arbitrary>], iteration_bounds = array<i64: 8>, scalar_prefetch = 0 : i64, scratch_operands = 0 : i64, tpu.core_type = #tpu.core_type<tc>, window_params = [{transform_indices = @transform_0, window_bounds = array<i64: 1, 1024, 256>}, {transform_indices = @transform_1, window_bounds = array<i64: 1, 256, 1024>}]} {
    %get3A = arith.constant 0 : index
    %get3A_0 = arith.constant 0 : index
    %get3A_1 = arith.constant 0 : index
    %get3A_2 = vector.load %arg1[%get3A, %get3A_0, %get3A_1] : memref<1x1024x256xf32, #tpu.memory_space<vmem>>, vector<1x1024x256xf32>
    %transpose3A = tpu.transpose %get3A_2, [0, 2, 1] : vector<1x1024x256xf32> -> vector<1x256x1024xf32>
    %swap3A = arith.constant 0 : index
    %swap3A_3 = arith.constant 0 : index
    %swap3A_4 = arith.constant 0 : index
    %swap3A_5 = vector.load %arg2[%swap3A, %swap3A_3, %swap3A_4] : memref<1x256x1024xf32, #tpu.memory_space<vmem>>, vector<1x256x1024xf32>
    tpu.vector_store %arg2[%swap3A, %swap3A_3, %swap3A_4], %transpose3A {strides = array<i32>} : memref<1x256x1024xf32, #tpu.memory_space<vmem>>, vector<1x256x1024xf32>,
    return
  }
  func.func @transform_0(%arg0: i32) -> (i32, i32, i32) {
    %c0_i32 = arith.constant 0 : i32
    %c0_i32_0 = arith.constant 0 : i32
    %c0_i32_1 = arith.constant 0 : i32
    return %arg0, %c0_i32, %c0_i32_0 : i32, i32, i32
  }
  func.func @transform_1(%arg0: i32) -> (i32, i32, i32) {
    %c0_i32 = arith.constant 0 : i32
    %c0_i32_0 = arith.constant 0 : i32
    %c0_i32_1 = arith.constant 0 : i32
    return %arg0, %c0_i32, %c0_i32_0 : i32, i32, i32
  }
}

</mosaic_0001>

<sc_bundles>
// kernel: gather_offload_async_start
scs
__scs_entry_jumppad:
0x0: {  	(pc) =	sbr.rel $0x88, $3  }
0x1: {  	(tag) =	ssettag $0x0;
	lr =	simm.s32 $0x1  }
0x2: {  	[smem:$0x3F9F] =	sst lr;
	_ =	strace $0xD0000000  }
0x3: {  	_ = 	snop  }
0x4: {  	_ = 	snop  }
0x5: {  	_ = 	snop  }
0x6: {  	_ = 	snop  }
0x7: {  	_ = 	snop  }
__scs_overlays_trampoline_lowered:
0x8: {  	[smem:$0x3FAE] =	sst s0  }
0x9: {  	[smem:$0x3FAF] =	sst s1  }
0xa: {  	[smem:$0x3FB0] =	sst s2  }
0xb: {  	[smem:$0x3FB1] =	sst s3  }
0xc: {  	[smem:$0x3FB2] =	sst s4  }
0xd: {  	[smem:$0x3FB3] =	sst s5  }
0xe: {  	[smem:$0x3FB4] =	sst s6  }
0xf: {  	[smem:$0x3FB5] =	sst s7  }
0x10: {  	[smem:$0x3FB6] =	sst s8  }
0x11: {  	[smem:$0x3FB7] =	sst s9;
	s0 =	simm.s32 @!p0 $0x0  }
0x12: {  	s1 =	sld [smem:$0x3F9D];
	s0 =	simm.s32 @p0 $0x1  }
0x13: {  	[smem:$0x3FB8] =	sst s0;
	s0 =	simm.s32 @!p1 $0x0  }
0x14: {  	s2 =	sld [smem:$0x3F9C];
	s0 =	simm.s32 @p1 $0x1  }
0x15: {  	[smem:$0x3FB9] =	sst s0;
	s0 =	simm.s32 @!p2 $0x0  }
0x16: {  	s3 =	sld [smem:$0x3FDB];
	s0 =	simm.s32 @p2 $0x1  }
0x17: {  	s4 =	simm.s32 $0x1BF5;
	[smem:$0x3FBB] =	sst s0  }
0x18: {  	s0 =	sld [smem:$0x3F9E];
	_ =	swait.ge [sflag:s4], $0x0  }
0x19: {  	s7 =	sld [smem:$0x3F9F]  }
0x1a: {  	s8 =	sadd.s32 $0xFFFFE003, lr  }
0x1b: {  	s9 =	sadd.s32 $0xFFFFFEF7, lr;
	s5 =	simm.s32 $0xFFFFFFFF;
	p2 =	slt.u32 s8, $0xFFFFF086  }
0x1c: {  	p1 =	slt.u32 s9, $0xF7A;
	s5 =	simm.s32 @!p2 $0x0  }
0x1d: {  	s5 =	simm.s32 @p1 $0x1;
	p0 =	seq.s32 s7, s2  }
0x1e: {  	s7 =	smul.u32 @!p0 $0xF7A, s2;
	p2 =	seq.s32 @!p0 s5, $0x0  }
0x1f: {  	s9 =	smul.u32 $0xF7A, s1;
	s8 =	simm.s32 @!p0 $0x1BF5;
	p2 =	por !p2, p0  }
0x20: {  	[sflag:s8] =	ssyncset.s32 @!p0 $0xFFFFF086;
	s6 =	sadd.s32 @!p0 s3, s7;
	s7 =	simm.s32 @!p0 $0x108  }
0x21: {  	s3 =	sadd.s32 s3, s9;
	s6 =	sadd.s32 @!p0 $0x88, s6;
	s7 =	simm.s32 @p2 $0x1082  }
0x22: {  	[simem:s7], [sflag:s8] =	dma.local @!p0 [hbm:s6], $0xF7A  }
0x23: {  	s9 =	sor.u32 $0xD0000000, s2;
	s6 =	simm.s32 $0x108;
	_ =	swait.ge @!p0 [sflag:s8], $0x0  }
0x24: {  	s3 =	sadd.s32 $0x88, s3;
	s6 =	simm.s32 @!p1 $0x1082;
	[sflag:s4] =	ssyncset.s32 $0xFFFFF086  }
0x25: {  	[simem:s6], [sflag:s4] =	dma.local [hbm:s3], $0xF7A  }
0x26: {  	[smem:$0x3F9F] =	sst s1;
	(tag) =	ssettag s2;
	_ =	strace s9  }
0x27: {  	s1 =	sld [smem:$0x3FAF]  }
0x28: {  	s2 =	sld [smem:$0x3FB0]  }
0x29: {  	s4 =	sld [smem:$0x3FB2]  }
0x2a: {  	p0 =	seq.s32 s5, $0x0;
	s5 =	sld [smem:$0x3FB3]  }
0x2b: {  	s6 =	sld [smem:$0x3FB4]  }
0x2c: {  	s7 =	sld [smem:$0x3FB5]  }
0x2d: {  	s3 =	simm.s32 $0x108;
	s8 =	sld [smem:$0x3FB6]  }
0x2e: {  	s3 =	simm.s32 @!p0 $0x1082;
	s9 =	sld [smem:$0x3FB7]  }
0x2f: {  	lr =	sadd.s32 s0, s3;
	s0 =	sld [smem:$0x3FAE]  }
0x30: {  	s3 =	sld [smem:$0x3FB1]  }
0x31: {  	[smem:$0x3FBA] =	sst s10  }
0x32: {  	s10 =	sld [smem:$0x3FB8];
	_ =	sdelay $0x3  }
0x33: {  	p0 =	seq.s32 s10, $0x1;
	s10 =	sld [smem:$0x3FBA];
	_ =	sdelay $0x3  }
0x34: {  	[smem:$0x3FBA] =	sst s10  }
0x35: {  	s10 =	sld [smem:$0x3FB9];
	_ =	sdelay $0x3  }
0x36: {  	p1 =	seq.s32 s10, $0x1;
	s10 =	sld [smem:$0x3FBA];
	_ =	sdelay $0x3  }
0x37: {  	[smem:$0x3FBA] =	sst s10  }
0x38: {  	s10 =	sld [smem:$0x3FBB]  }
0x39: {  	_ = 	snop;
	(pc) =	sbr.ind lr, $3  }
0x3a: {  	_ = 	snop  }
0x3b: {  	_ = 	snop  }
0x3c: {  	p2 =	seq.s32 s10, $0x1;
	s10 =	sld [smem:$0x3FBA]  }
0x3d: {  	_ =	shalt  }
0x3e: {  	_ =	shalt  }
0x3f: {  	_ =	shalt  }
0x40: {  	_ =	shalt  }
0x41: {  	_ =	shalt  }
0x42: {  	_ =	shalt  }
0x43: {  	_ =	shalt  }
0x44: {  	_ =	shalt  }
0x45: {  	_ =	shalt  }
0x46: {  	_ =	shalt  }
0x47: {  	_ =	shalt  }
0x48: {  	_ =	shalt  }
0x49: {  	_ =	shalt  }
0x4a: {  	_ =	shalt  }
0x4b: {  	_ =	shalt  }
0x4c: {  	_ =	shalt  }
0x4d: {  	_ =	shalt  }
0x4e: {  	_ =	shalt  }
0x4f: {  	_ =	shalt  }
0x50: {  	_ =	shalt  }
0x51: {  	_ =	shalt  }
0x52: {  	_ =	shalt  }
0x53: {  	_ =	shalt  }
0x54: {  	_ =	shalt  }
0x55: {  	_ =	shalt  }
0x56: {  	_ =	shalt  }
0x57: {  	_ =	shalt  }
0x58: {  	_ =	shalt  }
0x59: {  	_ =	shalt  }
0x5a: {  	_ =	shalt  }
0x5b: {  	_ =	shalt  }
0x5c: {  	_ =	shalt  }
0x5d: {  	_ =	shalt  }
0x5e: {  	_ =	shalt  }
0x5f: {  	_ =	shalt  }
0x60: {  	_ =	shalt  }
0x61: {  	_ =	shalt  }
0x62: {  	_ =	shalt  }
0x63: {  	_ =	shalt  }
0x64: {  	_ =	shalt  }
0x65: {  	_ =	shalt  }
0x66: {  	_ =	shalt  }
0x67: {  	_ =	shalt  }
0x68: {  	_ =	shalt  }
0x69: {  	_ =	shalt  }
0x6a: {  	_ =	shalt  }
0x6b: {  	_ =	shalt  }
0x6c: {  	_ =	shalt  }
0x6d: {  	_ =	shalt  }
0x6e: {  	_ =	shalt  }
0x6f: {  	_ =	shalt  }
0x70: {  	_ =	shalt  }
0x71: {  	_ =	shalt  }
0x72: {  	_ =	shalt  }
0x73: {  	_ =	shalt  }
0x74: {  	_ =	shalt  }
0x75: {  	_ =	shalt  }
0x76: {  	_ =	shalt  }
0x77: {  	_ =	shalt  }
0x78: {  	_ =	shalt  }
0x79: {  	_ =	shalt  }
0x7a: {  	_ =	shalt  }
0x7b: {  	_ =	shalt  }
0x7c: {  	_ =	shalt  }
0x7d: {  	_ =	shalt  }
0x7e: {  	_ =	shalt  }
0x7f: {  	_ =	shalt  }
0x80: {  	_ =	shalt  }
0x81: {  	_ =	shalt  }
0x82: {  	_ =	shalt  }
0x83: {  	_ =	shalt  }
0x84: {  	_ =	shalt  }
0x85: {  	_ =	shalt  }
0x86: {  	_ =	shalt  }
0x87: {  	_ =	shalt  }
.Lfunc_end0:
.L_simem_size_0:
called_computation_lowered:
.L_overlay_start_0:
0x88: {  	s2 =	sld [smem:$0x3FD9]  }
0x89: {  	s3 =	sld [smem:$0x3FFE];
	_ =	sdelay $0x1  }
0x8a: {  	s1 =	srdreg.scid  }
0x8b: {  	s0 =	sand.u32 $0x1, s1  }
0x8c: {  	s14 =	sshll.u32 s0, $0xA;
	s2 =	sadd.s32 s3, s2  }
0x8d: {  	s2 =	sadd.s32 s2, s14  }
0x8e: {  	[smem:$0x3FC6] =	sst s2  }
0x8f: {  	_ = 	snop  }
0x90: {  	s2 =	sld [smem:$0x3FD0];
	_ =	sdelay $0x2  }
0x91: {  	s4 =	simm.s32 $0xA;
	s5 =	simm.s32 $0x10;
	s15 =	sld [smem:$0x3FC8]  }
0x92: {  	[smem:s5], [sflag:s4] =	dma.local [hbm:s2], $0x1  }
0x93: {  	_ =	swait.eq [sflag:s4], $0x1  }
0x94: {  	[sflag:s4] =	ssyncset.done $0x0  }
0x95: {  	[sflag:s4] =	ssyncadd.s32 $0xFFFFFFFF  }
0x96: {  	s16 =	sld [smem:$0x10];
	(tm) =	ssettm $0x1  }
0x97: {  	s17 =	sld [smem:$0x3FFB];
	_ =	sdelay $0x3  }
0x98: {  	_ =	strace s17  }
0x99: {  	s4 =	sld [smem:$0x3FFC];
	_ =	sdelay $0x3  }
0x9a: {  	_ =	strace s4  }
0x9b: {  	s4 =	sld [smem:$0x3FFD];
	_ =	sdelay $0x3  }
0x9c: {  	_ =	strace s4  }
0x9d: {  	_ =	strace $0x8FFFFFFF  }
0x9e: {  	s18 =	sld [smem:$0x3FDB];
	_ =	sdelay $0x1  }
0x9f: {  	s19 =	simm.s32 $_scs_section_size  }
0xa0: {  	s6 =	simm.s32 $_size__tile_overlayer_lowered;
	s7 =	simm.s32 $_tile_overlayer_lowered  }
0xa1: {  	s22 =	simm.s32 $0x1BFF;
	s21 =	sshll.u32 s7, $0x1;
	s4 =	sadd.s32 s19, s18  }
0xa2: {  	s8 =	simm.s32 $0x0;
	s20 =	sshll.u32 s6, $0x1;
	s6 =	sadd.s32 s21, s4  }
0xa3: {  	[timem:s8], [sflag:s22] =	dma.local [hbm:s6], s20  }
0xa4: {  	_ =	swait.ge [sflag:s22], s20  }
0xa5: {  	s5 =	ssub.s32 $0x0, s20;
	[sflag:s22] =	ssyncset.done $0x0  }
0xa6: {  	[sflag:s22] =	ssyncadd.s32 s5;
	_ =	sdelay $0x1  }
0xa7: {  	s23 =	simm.s32 $0x1B8B  }
0xa8: {  	_ =	swait.ge [sflag:s23], $0x1  }
0xa9: {  	[sflag:s23] =	ssyncset.done $0x0  }
0xaa: {  	s25 =	simm.s32 $0x1B8E;
	s24 =	sld [smem:$0x3FFE];
	[sflag:s23] =	ssyncadd.s32 $0xFFFFFFFF  }
0xab: {  	s26 =	simm.s32 $execute0_lowered;
	[smem:$0x3FD2] =	sst s25  }
0xac: {  	s6 =	sshll.u32 s26, $0x1;
	_ =	strace $0x80000046;
	[dreg:$0x1] =	wrdreg $0xFFFFFFFF  }
0xad: {  	s28 =	simm.s32 $_size_execute0_lowered;
	s4 =	sadd.s32 s4, s6;
	[dreg:$0x0] =	wrdreg $0x0  }
0xae: {  	s6 =	sshll.u32 s28, $0x1;
	[dreg:$0x2] =	wrdreg s4  }
0xaf: {  	[dreg:$0x3] =	wrdreg s6  }
0xb0: {  	[dreg:$0x4] =	wrdreg $0xC0  }
0xb1: {  	_ =	task [dreg:s8], $0x5FFFF  }
0xb2: {  	[dreg:$0x1] =	wrdreg $0xFFFFFFFF  }
0xb3: {  	[dreg:$0x0] =	wrdreg $0x60  }
0xb4: {  	[dreg:$0x2] =	wrdreg s15  }
0xb5: {  	[dreg:$0x3] =	wrdreg s24  }
0xb6: {  	[dreg:$0x4] =	wrdreg s16  }
0xb7: {  	[dreg:$0x5] =	wrdreg $0x9  }
0xb8: {  	_ =	task.clear_ibuf [dreg:s8], $0x6FFFF;
	_ =	strace $0x90000046  }
0xb9: {  	s29 =	simm.s32 $0x9;
	_ =	strace $0x80000048  }
0xba: {  	_ =	swait.ge [sflag:s29], $0x1  }
0xbb: {  	[sflag:s29] =	ssyncadd.s32 $0xFFFFFFFF  }
0xbc: {  	_ =	strace $0x90000048  }
0xbd: {  	_ =	sfence  }
0xbe: {  	s30 =	sld [smem:$0x0];
	_ =	sdelay $0x2  }
0xbf: {  	s31 =	sshll.u32 s1, $0xD;
	s1 =	sshrl.u32 s1, $0x2  }
0xc0: {  	s3 =	sand.u32 $0x4000, s31;
	s1 =	sadd.s32 s1, s30  }
0xc1: {  	s0 =	sor.u32 s3, s0;
	s1 =	sshll.u32 s1, $0x11  }
0xc2: {  	s0 =	sor.u32 s1, s0  }
0xc3: {  	s0 =	sadd.s32 $0x8F2B, s0  }
0xc4: {  	[sflag:s0] =	ssyncadd.remote.s32 $0x1  }
0xc5: {  	_ =	sfence.sel $0xFFFF  }
0xc6: {  	[dreg:$0x0] =	wrdreg $0xFFFFFFFF;
	(pc) =	sbr.abs _section_cstart, $3  }
0xc7: {  	[dreg:$0x1] =	wrdreg $0xFFFFFFFF  }
0xc8: {  	_ =	task.clear_ibuf [dreg:s8], $0x2FFFF;
	_ =	strace $0x9FFFFFFF  }
0xc9: {  	(tm) =	ssettm $0x7FFFFFFF  }
tec
execute0_lowered:
.L_overlay_start_1:
0x0: {  	(tag) =	ssettag $0x1  }
0x1: {  	s2 =	rddreg [dreg:$0x0]  }
0x2: {  	s7 =	rddreg [dreg:$0x1]  }
0x3: {  	s3 =	rddreg [dreg:$0x2]  }
0x4: {  	s0 =	rddreg [dreg:$0x3];
	s1 =	srdreg.scid;
	_ =	strace $0x80000047  }
0x5: {  	s4 =	simm.s32 $0x1;
	s9 =	simm.s32 $0x3;
	s5 =	sshll.u32 s1, $0x4  }
.Ltmp0:
0x6: {  	s1 =	stileid.u32;
	s5 =	sand.u32 $0x10, s5;
	(pc) =	sbr.rel .LBB2_1-.Ltmp0, $4  }
0x7: {  	s11 =	simm.s32 $0x0;
	p0 =	por $0x0, $0x0;
	s6 =	sor.u32 s1, s5  }
0x8: {  	[sflag:s4] =	ssyncpa.u1 $0x0;
	s5 =	simm.s32 $0x2;
	s6 =	sshll.u32 s6, $0x8  }
0x9: {  	s7 =	sadd.s32 $0xA00, s7;
	[sflag:s5] =	ssyncpa.u1 $0x0;
	s8 =	sadd.s32 $0x100, s6  }
0xa: {  	vm0 =	vmmov $0xff;
	vm1 =	vcmask $0x3F20;
	[sflag:s9] =	ssyncpa.u1 $0x0;
	s10 =	smov.u32 s6;
	s9 =	simm.s32 $0x0  }
.LBB2_8:
0xb: {  	[hbm:s15] =	stream.linear.scatter [tilespmem:s12], [sflag:$0x3], $0x800, $0x38;
	[tilespmem:$0x10100] =	vst v63  }
.LBB2_9:
0xc: {  	p1 =	slt.u32 s9, $0x2;
	s11 =	sadd.s32 $0x80, s10  }
0xd: {  	s13 =	smov.u32 s6;
	s9 =	sadd.s32 $0x1, s9;
	p2 =	slt.s32 s11, s8  }
0xe: {  	s13 =	smov.u32 @p2 s11;
	p2 =	sne.s32 s9, $0x4  }
.Ltmp1:
0xf: {  	_ = 	snop;
	(pc) =	sbr.rel @!p2 .LBB2_10-.Ltmp1, $4  }
0x10: {  	s12 =	simm.s32 @!p1 $0x3  }
0x11: {  	_ =	swait.ge @!p1 [sflag:s12], $0x8000  }
0x12: {  	p0 =	por !p0, !p0;
	[sflag:s12] =	ssyncset.done @!p1 $0x0  }
0x13: {  	s11 =	smov.u32 s10;
	s10 =	smov.u32 s13;
	[sflag:s12] =	ssyncadd.s32 @!p1 $0xFFFF8000  }
.LBB2_1:
0x14: {  	p1 =	sgt.u32 s9, $0x1  }
0x15: {  	s12 =	sshll.u32 @!p1 s9, $0x7;
	s13 =	sshrl.u32 @!p1 s10, $0x3  }
0x16: {  	s14 =	sand.u32 @!p1 $0x7, s10;
	s12 =	sxor.u32 @!p1 $0x80, s12;
	s13 =	sadd.s32 @!p1 s7, s13  }
0x17: {  	[tilespmem:s12], [sflag:$0x2] =	stream.linear.gather @!p1 [hbm4b:s13+s14], $0x80, $0x38;
	[tilespmem:$0x10100] =	vst v63  }
0x18: {  	p1 =	seq.s32 s9, $0x0  }
0x19: {  	p2 =	seq.s32 @!p1 s9, $0x3  }
0x1a: {  	p1 =	por p1, p2  }
.Ltmp2:
0x1b: {  	_ = 	snop;
	(pc) =	sbr.rel @p1 .LBB2_9-.Ltmp2, $1  }
0x1c: {  	_ =	sdelay $0x3  }
0x1d: {  	s12 =	simm.s32 $0x1;
	_ =	swait.ge [sflag:s5], $0x80;
	s13 =	sand.u32 $0x1, s9  }
0x1e: {  	s15 =	simm.s32 $0x0;
	s12 =	simm.s32 @!p0 $0x0;
	[sflag:s5] =	ssyncset.done $0x0  }
0x1f: {  	s14 =	sshll.u32 s13, $0xF;
	s13 =	sshll.u32 s13, $0x7;
	s12 =	sshll.u32 s12, $0xF  }
0x20: {  	[sflag:s5] =	ssyncadd.s32 $0xFFFFFF80;
	s14 =	sor.u32 $0x100, s14;
	s12 =	sor.u32 $0x100, s12  }
.LBB2_3:
0x21: {  	s16 =	sshll.u32 s15, $0x4  }
0x22: {  	s16 =	sand.u32 $0x3FFFFFF0, s16  }
0x23: {  	s16 =	sadd.s32 s16, s13  }
0x24: {  	v0 =	vld.msk [tilespmem:s16+$0x0 ss:$0x1], $0xffff;
	_ =	sdelay $0x4  }
0x25: {  	vm2 =	vgt.s32 v0, $0x0  }
0x26: {  	v0 =	vnsel vm2, $0x0, v0  }
0x27: {  	v0 =	vmin.u32 v0, $0x1FFF  }
0x28: {  	s31 =	sshll.u32 s15, $0xC;
	v1 =	vshll.u32 v0, $0x5;
	v0 =	vshll.u32 v0, $0x4  }
0x29: {  	s16 =	sand.u32 $0x3FFFF000, s31;
	v1 =	vand.u32 $0x3FF00, v1;
	v0 =	vand.u32 $0x70, v0  }
0x2a: {  	p1 =	por $0x1, $0x1;
	s17 =	simm.s32 $0x0;
	s16 =	sadd.s32 s16, s14;
	v0 =	vor.u32 v0, v1  }
.LBB2_4:
0x2b: {  	_ =	sdelay $0x1  }
0x2c: {  	s17 =	sshra.s32 s17, $0x2;
	p2 =	por p1, p1  }
.Ltmp3:
0x2d: {  	s17 =	sadd.s32 s17, s16;
	(pc) =	sbr.rel @p2 .LBB2_4-.Ltmp3, $4  }
0x2e: {  	[tilespmem:s17], [sflag:$0x1] =	stream.indirect_vreg.gather [hbm:s2], $0x80, v0, vm0, $0x38;
	[tilespmem:$0x10100] =	vst v63  }
0x2f: {  	s17 =	sadd.s32 $0x800, s17  }
0x30: {  	[tilespmem:s17], [sflag:$0x1] =	stream.indirect_vreg.gather [hbm:s2], $0x80, v0, vm1, $0x38;
	[tilespmem:$0x10100] =	vst v63  }
0x31: {  	p1 =	por $0x0, $0x0;
	v0 =	vadd.s32 $0x80, v0;
	s17 =	simm.s32 $0x1000  }
0x32: {  	s15 =	sadd.s32 $0x1, s15  }
0x33: {  	p1 =	sne.s32 s15, $0x8  }
.Ltmp4:
0x34: {  	_ = 	snop;
	(pc) =	sbr.rel @p1 .LBB2_3-.Ltmp4, $1  }
0x35: {  	_ =	sdelay $0x3  }
0x36: {  	s13 =	sshll.u32 s11, $0x5  }
0x37: {  	s31 =	sshll.u32 s11, $0x4;
	s13 =	sand.u32 $0xFFFFFF00, s13  }
0x38: {  	_ =	swait.ge [sflag:s4], $0x8000;
	s11 =	sand.u32 $0x70, s31;
	s13 =	sadd.s32 s13, s3  }
0x39: {  	s14 =	sadd.s32 $0x800, s12;
	[sflag:s4] =	ssyncset.done $0x0;
	s11 =	sadd.s32 s11, s13  }
0x3a: {  	[sflag:s4] =	ssyncadd.s32 $0xFFFF8000;
	s13 =	simm.s32 $0x100;
	s15 =	sadd.s32 $0x0, s11  }
.LBB2_7:
0x3b: {  	[hbm:s15] =	stream.linear.scatter [tilespmem:s12], [sflag:$0x3], $0x800, $0x38;
	[tilespmem:$0x10100] =	vst v63  }
0x3c: {  	s15 =	smov.u32 s13;
	s12 =	smov.u32 s14;
	p1 =	sne.s32 s13, $0xF00  }
.Ltmp5:
0x3d: {  	s13 =	sadd.s32 $0x100, s13;
	(pc) =	sbr.rel @p1 .LBB2_7-.Ltmp5, $2  }
0x3e: {  	_ =	sdelay $0x2  }
0x3f: {  	s14 =	sadd.s32 $0x800, s14;
	s15 =	sadd.s32 s15, s11  }
.Ltmp6:
0x40: {  	_ = 	snop;
	(pc) =	sbr.rel .LBB2_8-.Ltmp6, $1  }
0x41: {  	_ =	sdelay $0x3  }
.LBB2_10:
0x42: {  	_ =	sfence.sel $0x180000  }
0x43: {  	s2 =	simm.s32 $0x2;
	[bflag:$0x0] =	sbarrier.arrive $0xFFFF  }
0x44: {  	s30 =	simm.s32 $0x3;
	[sflag:s2] =	ssyncpa.u1 $0x1  }
0x45: {  	s31 =	simm.s32 $0x1;
	[sflag:s30] =	ssyncpa.u1 $0x1  }
0x46: {  	[sflag:s31] =	ssyncpa.u1 $0x1  }
0x47: {  	p0 =	sne.s32 s1, $0x0;
	_ =	strace $0x90000047  }
0x48: {  	s0 =	sadd.s32 @!p0 $0x100000, s0;
	[bflag:$0x2] =	sbarrier.arrive $0xFFFF  }
0x49: {  	[sflag:s0] =	ssyncadd.tile.s32 @!p0 $0x1;
	_ =	shalt  }
.Lfunc_end2:
_tile_overlayer_lowered:
.L_overlay_start_2:
0x4a: {  	(tag) =	ssettag $0x2  }
0x4b: {  	s0 =	rddreg [dreg:$0x0];
	s2 =	stileid.u32  }
0x4c: {  	s1 =	rddreg [dreg:$0x1];
	p0 =	sne.s32 s2, $0x0  }
0x4d: {  	s3 =	rddreg [dreg:$0x2];
	[bflag:$0x3] =	sbarrier.arrive $0xFFFF;
	s2 =	simm.s32 @!p0 $0x1C01  }
0x4e: {  	[timem:s3], [sflag:s2] =	dma.local @!p0 [hbm:s0], s1  }
0x4f: {  	s0 =	simm.s32 @!p0 $0x1  }
0x50: {  	_ =	swait.ge @!p0 [sflag:s0], s1  }
0x51: {  	s1 =	ssub.s32 @!p0 $0x0, s1;
	[sflag:s0] =	ssyncset.done @!p0 $0x0  }
0x52: {  	[sflag:s0] =	ssyncadd.s32 @!p0 s1  }
0x53: {  	[bflag:$0x3] =	sbarrier.arrive $0xFFFF  }
0x54: {  	_ =	shalt  }

// kernel: kernel.5.cloned.1.call-start
scs
__scs_entry_jumppad:
0x0: {  	(pc) =	sbr.rel $0x88, $3  }
0x1: {  	(tag) =	ssettag $0x0;
	lr =	simm.s32 $0x1  }
0x2: {  	[smem:$0x3F9F] =	sst lr;
	_ =	strace $0xD0000000  }
0x3: {  	_ = 	snop  }
0x4: {  	_ = 	snop  }
0x5: {  	_ = 	snop  }
0x6: {  	_ = 	snop  }
0x7: {  	_ = 	snop  }
__scs_overlays_trampoline_lowered:
0x8: {  	[smem:$0x3FAE] =	sst s0  }
0x9: {  	[smem:$0x3FAF] =	sst s1  }
0xa: {  	[smem:$0x3FB0] =	sst s2  }
0xb: {  	[smem:$0x3FB1] =	sst s3  }
0xc: {  	[smem:$0x3FB2] =	sst s4  }
0xd: {  	[smem:$0x3FB3] =	sst s5  }
0xe: {  	[smem:$0x3FB4] =	sst s6  }
0xf: {  	[smem:$0x3FB5] =	sst s7  }
0x10: {  	[smem:$0x3FB6] =	sst s8  }
0x11: {  	[smem:$0x3FB7] =	sst s9;
	s0 =	simm.s32 @!p0 $0x0  }
0x12: {  	s1 =	sld [smem:$0x3F9D];
	s0 =	simm.s32 @p0 $0x1  }
0x13: {  	[smem:$0x3FB8] =	sst s0;
	s0 =	simm.s32 @!p1 $0x0  }
0x14: {  	s2 =	sld [smem:$0x3F9C];
	s0 =	simm.s32 @p1 $0x1  }
0x15: {  	[smem:$0x3FB9] =	sst s0;
	s0 =	simm.s32 @!p2 $0x0  }
0x16: {  	s3 =	sld [smem:$0x3FDB];
	s0 =	simm.s32 @p2 $0x1  }
0x17: {  	s4 =	simm.s32 $0x1BF5;
	[smem:$0x3FBB] =	sst s0  }
0x18: {  	s0 =	sld [smem:$0x3F9E];
	_ =	swait.ge [sflag:s4], $0x0  }
0x19: {  	s7 =	sld [smem:$0x3F9F]  }
0x1a: {  	s8 =	sadd.s32 $0xFFFFE003, lr  }
0x1b: {  	s9 =	sadd.s32 $0xFFFFFEF7, lr;
	s5 =	simm.s32 $0xFFFFFFFF;
	p2 =	slt.u32 s8, $0xFFFFF086  }
0x1c: {  	p1 =	slt.u32 s9, $0xF7A;
	s5 =	simm.s32 @!p2 $0x0  }
0x1d: {  	s5 =	simm.s32 @p1 $0x1;
	p0 =	seq.s32 s7, s2  }
0x1e: {  	s7 =	smul.u32 @!p0 $0xF7A, s2;
	p2 =	seq.s32 @!p0 s5, $0x0  }
0x1f: {  	s9 =	smul.u32 $0xF7A, s1;
	s8 =	simm.s32 @!p0 $0x1BF5;
	p2 =	por !p2, p0  }
0x20: {  	[sflag:s8] =	ssyncset.s32 @!p0 $0xFFFFF086;
	s6 =	sadd.s32 @!p0 s3, s7;
	s7 =	simm.s32 @!p0 $0x108  }
0x21: {  	s3 =	sadd.s32 s3, s9;
	s6 =	sadd.s32 @!p0 $0x88, s6;
	s7 =	simm.s32 @p2 $0x1082  }
0x22: {  	[simem:s7], [sflag:s8] =	dma.local @!p0 [hbm:s6], $0xF7A  }
0x23: {  	s9 =	sor.u32 $0xD0000000, s2;
	s6 =	simm.s32 $0x108;
	_ =	swait.ge @!p0 [sflag:s8], $0x0  }
0x24: {  	s3 =	sadd.s32 $0x88, s3;
	s6 =	simm.s32 @!p1 $0x1082;
	[sflag:s4] =	ssyncset.s32 $0xFFFFF086  }
0x25: {  	[simem:s6], [sflag:s4] =	dma.local [hbm:s3], $0xF7A  }
0x26: {  	[smem:$0x3F9F] =	sst s1;
	(tag) =	ssettag s2;
	_ =	strace s9  }
0x27: {  	s1 =	sld [smem:$0x3FAF]  }
0x28: {  	s2 =	sld [smem:$0x3FB0]  }
0x29: {  	s4 =	sld [smem:$0x3FB2]  }
0x2a: {  	p0 =	seq.s32 s5, $0x0;
	s5 =	sld [smem:$0x3FB3]  }
0x2b: {  	s6 =	sld [smem:$0x3FB4]  }
0x2c: {  	s7 =	sld [smem:$0x3FB5]  }
0x2d: {  	s3 =	simm.s32 $0x108;
	s8 =	sld [smem:$0x3FB6]  }
0x2e: {  	s3 =	simm.s32 @!p0 $0x1082;
	s9 =	sld [smem:$0x3FB7]  }
0x2f: {  	lr =	sadd.s32 s0, s3;
	s0 =	sld [smem:$0x3FAE]  }
0x30: {  	s3 =	sld [smem:$0x3FB1]  }
0x31: {  	[smem:$0x3FBA] =	sst s10  }
0x32: {  	s10 =	sld [smem:$0x3FB8];
	_ =	sdelay $0x3  }
0x33: {  	p0 =	seq.s32 s10, $0x1;
	s10 =	sld [smem:$0x3FBA];
	_ =	sdelay $0x3  }
0x34: {  	[smem:$0x3FBA] =	sst s10  }
0x35: {  	s10 =	sld [smem:$0x3FB9];
	_ =	sdelay $0x3  }
0x36: {  	p1 =	seq.s32 s10, $0x1;
	s10 =	sld [smem:$0x3FBA];
	_ =	sdelay $0x3  }
0x37: {  	[smem:$0x3FBA] =	sst s10  }
0x38: {  	s10 =	sld [smem:$0x3FBB]  }
0x39: {  	_ = 	snop;
	(pc) =	sbr.ind lr, $3  }
0x3a: {  	_ = 	snop  }
0x3b: {  	_ = 	snop  }
0x3c: {  	p2 =	seq.s32 s10, $0x1;
	s10 =	sld [smem:$0x3FBA]  }
0x3d: {  	_ =	shalt  }
0x3e: {  	_ =	shalt  }
0x3f: {  	_ =	shalt  }
0x40: {  	_ =	shalt  }
0x41: {  	_ =	shalt  }
0x42: {  	_ =	shalt  }
0x43: {  	_ =	shalt  }
0x44: {  	_ =	shalt  }
0x45: {  	_ =	shalt  }
0x46: {  	_ =	shalt  }
0x47: {  	_ =	shalt  }
0x48: {  	_ =	shalt  }
0x49: {  	_ =	shalt  }
0x4a: {  	_ =	shalt  }
0x4b: {  	_ =	shalt  }
0x4c: {  	_ =	shalt  }
0x4d: {  	_ =	shalt  }
0x4e: {  	_ =	shalt  }
0x4f: {  	_ =	shalt  }
0x50: {  	_ =	shalt  }
0x51: {  	_ =	shalt  }
0x52: {  	_ =	shalt  }
0x53: {  	_ =	shalt  }
0x54: {  	_ =	shalt  }
0x55: {  	_ =	shalt  }
0x56: {  	_ =	shalt  }
0x57: {  	_ =	shalt  }
0x58: {  	_ =	shalt  }
0x59: {  	_ =	shalt  }
0x5a: {  	_ =	shalt  }
0x5b: {  	_ =	shalt  }
0x5c: {  	_ =	shalt  }
0x5d: {  	_ =	shalt  }
0x5e: {  	_ =	shalt  }
0x5f: {  	_ =	shalt  }
0x60: {  	_ =	shalt  }
0x61: {  	_ =	shalt  }
0x62: {  	_ =	shalt  }
0x63: {  	_ =	shalt  }
0x64: {  	_ =	shalt  }
0x65: {  	_ =	shalt  }
0x66: {  	_ =	shalt  }
0x67: {  	_ =	shalt  }
0x68: {  	_ =	shalt  }
0x69: {  	_ =	shalt  }
0x6a: {  	_ =	shalt  }
0x6b: {  	_ =	shalt  }
0x6c: {  	_ =	shalt  }
0x6d: {  	_ =	shalt  }
0x6e: {  	_ =	shalt  }
0x6f: {  	_ =	shalt  }
0x70: {  	_ =	shalt  }
0x71: {  	_ =	shalt  }
0x72: {  	_ =	shalt  }
0x73: {  	_ =	shalt  }
0x74: {  	_ =	shalt  }
0x75: {  	_ =	shalt  }
0x76: {  	_ =	shalt  }
0x77: {  	_ =	shalt  }
0x78: {  	_ =	shalt  }
0x79: {  	_ =	shalt  }
0x7a: {  	_ =	shalt  }
0x7b: {  	_ =	shalt  }
0x7c: {  	_ =	shalt  }
0x7d: {  	_ =	shalt  }
0x7e: {  	_ =	shalt  }
0x7f: {  	_ =	shalt  }
0x80: {  	_ =	shalt  }
0x81: {  	_ =	shalt  }
0x82: {  	_ =	shalt  }
0x83: {  	_ =	shalt  }
0x84: {  	_ =	shalt  }
0x85: {  	_ =	shalt  }
0x86: {  	_ =	shalt  }
0x87: {  	_ =	shalt  }
.Lfunc_end0:
.L_simem_size_0:
called_computation.1_lowered:
.L_overlay_start_0:
0x88: {  	s2 =	sld [smem:$0x3FD9]  }
0x89: {  	s3 =	sld [smem:$0x3FFE];
	_ =	sdelay $0x1  }
0x8a: {  	s1 =	srdreg.scid  }
0x8b: {  	s0 =	sand.u32 $0x1, s1  }
0x8c: {  	s14 =	sshll.u32 s0, $0xA;
	s2 =	sadd.s32 s3, s2  }
0x8d: {  	s2 =	sadd.s32 s2, s14  }
0x8e: {  	[smem:$0x3FC6] =	sst s2  }
0x8f: {  	_ = 	snop  }
0x90: {  	s2 =	sld [smem:$0x3FD0];
	_ =	sdelay $0x2  }
0x91: {  	s4 =	simm.s32 $0xA;
	s5 =	simm.s32 $0x10;
	s15 =	sld [smem:$0x3FC8]  }
0x92: {  	[smem:s5], [sflag:s4] =	dma.local [hbm:s2], $0x1  }
0x93: {  	_ =	swait.eq [sflag:s4], $0x1  }
0x94: {  	[sflag:s4] =	ssyncset.done $0x0  }
0x95: {  	[sflag:s4] =	ssyncadd.s32 $0xFFFFFFFF  }
0x96: {  	s16 =	sld [smem:$0x10];
	(tm) =	ssettm $0x1  }
0x97: {  	s17 =	sld [smem:$0x3FFB];
	_ =	sdelay $0x3  }
0x98: {  	_ =	strace s17  }
0x99: {  	s4 =	sld [smem:$0x3FFC];
	_ =	sdelay $0x3  }
0x9a: {  	_ =	strace s4  }
0x9b: {  	s4 =	sld [smem:$0x3FFD];
	_ =	sdelay $0x3  }
0x9c: {  	_ =	strace s4  }
0x9d: {  	_ =	strace $0x8FFFFFFF  }
0x9e: {  	s18 =	sld [smem:$0x3FDB];
	_ =	sdelay $0x1  }
0x9f: {  	s19 =	simm.s32 $_scs_section_size  }
0xa0: {  	s6 =	simm.s32 $_size__tile_overlayer_lowered;
	s7 =	simm.s32 $_tile_overlayer_lowered  }
0xa1: {  	s22 =	simm.s32 $0x1BFF;
	s21 =	sshll.u32 s7, $0x1;
	s4 =	sadd.s32 s19, s18  }
0xa2: {  	s8 =	simm.s32 $0x0;
	s20 =	sshll.u32 s6, $0x1;
	s6 =	sadd.s32 s21, s4  }
0xa3: {  	[timem:s8], [sflag:s22] =	dma.local [hbm:s6], s20  }
0xa4: {  	_ =	swait.ge [sflag:s22], s20  }
0xa5: {  	s5 =	ssub.s32 $0x0, s20;
	[sflag:s22] =	ssyncset.done $0x0  }
0xa6: {  	[sflag:s22] =	ssyncadd.s32 s5;
	_ =	sdelay $0x1  }
0xa7: {  	s23 =	simm.s32 $0x1B8B  }
0xa8: {  	_ =	swait.ge [sflag:s23], $0x1  }
0xa9: {  	[sflag:s23] =	ssyncset.done $0x0  }
0xaa: {  	s25 =	simm.s32 $0x1B8E;
	s24 =	sld [smem:$0x3FFE];
	[sflag:s23] =	ssyncadd.s32 $0xFFFFFFFF  }
0xab: {  	s26 =	simm.s32 $execute0_lowered;
	[smem:$0x3FD2] =	sst s25  }
0xac: {  	s6 =	sshll.u32 s26, $0x1;
	_ =	strace $0x80000049;
	[dreg:$0x1] =	wrdreg $0xFFFFFFFF  }
0xad: {  	s28 =	simm.s32 $_size_execute0_lowered;
	s4 =	sadd.s32 s4, s6;
	[dreg:$0x0] =	wrdreg $0x0  }
0xae: {  	s6 =	sshll.u32 s28, $0x1;
	[dreg:$0x2] =	wrdreg s4  }
0xaf: {  	[dreg:$0x3] =	wrdreg s6  }
0xb0: {  	[dreg:$0x4] =	wrdreg $0xC0  }
0xb1: {  	_ =	task [dreg:s8], $0x5FFFF  }
0xb2: {  	[dreg:$0x1] =	wrdreg $0xFFFFFFFF  }
0xb3: {  	[dreg:$0x0] =	wrdreg $0x60  }
0xb4: {  	[dreg:$0x2] =	wrdreg s15  }
0xb5: {  	[dreg:$0x3] =	wrdreg s24  }
0xb6: {  	[dreg:$0x4] =	wrdreg s16  }
0xb7: {  	[dreg:$0x5] =	wrdreg $0x9  }
0xb8: {  	_ =	task.clear_ibuf [dreg:s8], $0x6FFFF;
	_ =	strace $0x90000049  }
0xb9: {  	s29 =	simm.s32 $0x9;
	_ =	strace $0x8000004B  }
0xba: {  	_ =	swait.ge [sflag:s29], $0x1  }
0xbb: {  	[sflag:s29] =	ssyncadd.s32 $0xFFFFFFFF  }
0xbc: {  	_ =	strace $0x9000004B  }
0xbd: {  	_ =	sfence  }
0xbe: {  	s30 =	sld [smem:$0x0];
	_ =	sdelay $0x2  }
0xbf: {  	s31 =	sshll.u32 s1, $0xD;
	s1 =	sshrl.u32 s1, $0x2  }
0xc0: {  	s3 =	sand.u32 $0x4000, s31;
	s1 =	sadd.s32 s1, s30  }
0xc1: {  	s0 =	sor.u32 s3, s0;
	s1 =	sshll.u32 s1, $0x11  }
0xc2: {  	s0 =	sor.u32 s1, s0  }
0xc3: {  	s0 =	sadd.s32 $0x8F2B, s0  }
0xc4: {  	[sflag:s0] =	ssyncadd.remote.s32 $0x1  }
0xc5: {  	_ =	sfence.sel $0xFFFF  }
0xc6: {  	[dreg:$0x0] =	wrdreg $0xFFFFFFFF;
	(pc) =	sbr.abs _section_cstart, $3  }
0xc7: {  	[dreg:$0x1] =	wrdreg $0xFFFFFFFF  }
0xc8: {  	_ =	task.clear_ibuf [dreg:s8], $0x2FFFF;
	_ =	strace $0x9FFFFFFF  }
0xc9: {  	(tm) =	ssettm $0x7FFFFFFF  }
tec
execute0_lowered:
.L_overlay_start_1:
0x0: {  	(tag) =	ssettag $0x1  }
0x1: {  	s1 =	rddreg [dreg:$0x0]  }
0x2: {  	s2 =	srdreg.scid;
	s4 =	rddreg [dreg:$0x1]  }
0x3: {  	s0 =	stileid.u32;
	s6 =	rddreg [dreg:$0x2];
	s19 =	simm.s32 $0x900  }
0x4: {  	s20 =	simm.s32 $0x1100;
	s21 =	simm.s32 $0x1900;
	s23 =	simm.s32 $0x2100  }
0x5: {  	s24 =	simm.s32 $0x2900;
	s25 =	simm.s32 $0x3100;
	s26 =	simm.s32 $0x3900  }
0x6: {  	s8 =	simm.s32 $0x4900;
	s9 =	simm.s32 $0x5100;
	s10 =	simm.s32 $0x5900  }
0x7: {  	s11 =	simm.s32 $0x6100;
	s12 =	simm.s32 $0x6900;
	s13 =	simm.s32 $0x7100  }
0x8: {  	s14 =	simm.s32 $0x7900;
	s15 =	simm.s32 $0x8100;
	s2 =	sand.u32 $0x1, s2  }
0x9: {  	s16 =	simm.s32 $0x8900;
	s3 =	sshll.u32 s0, $0x9;
	s5 =	sshll.u32 s2, $0x8  }
0xa: {  	s17 =	simm.s32 $0x9100;
	s5 =	sor.u32 s5, s3;
	s3 =	simm.s32 $0x0  }
0xb: {  	s28 =	simm.s32 $0xE100;
	s29 =	simm.s32 $0xE900;
	[smem:$0x7FF] =	sst s3  }
0xc: {  	s30 =	simm.s32 $0xF100;
	_ =	strace $0x8000004A;
	[dreg:$0x6] =	wrdreg s19  }
0xd: {  	s31 =	simm.s32 $0xF900;
	s2 =	ssub.s32 $0x2, s2;
	[dreg:$0x7] =	wrdreg s20  }
0xe: {  	s22 =	sshrl.u32 s2, $0x1;
	s7 =	sshrl.u32 s5, $0x3;
	[dreg:$0x8] =	wrdreg s21  }
0xf: {  	s5 =	sshll.u32 s5, $0x5;
	s2 =	ssub.s32 s2, s22;
	[dreg:$0x9] =	wrdreg s23  }
0x10: {  	s22 =	simm.s32 $0xB900;
	s4 =	sadd.s32 s7, s4;
	[dreg:$0xa] =	wrdreg s24  }
0x11: {  	s18 =	sadd.s32 s6, s5;
	s5 =	simm.s32 $0x2;
	[dreg:$0xb] =	wrdreg s25  }
0x12: {  	s6 =	simm.s32 $0x100;
	[dreg:$0xc] =	wrdreg s26;
	s19 =	simm.s32 $0xA100  }
0x13: {  	s20 =	simm.s32 $0xA900;
	s21 =	simm.s32 $0xB100;
	s23 =	simm.s32 $0xC100  }
0x14: {  	v2 =	vlaneseq.u32;
	s24 =	simm.s32 $0xC900;
	s25 =	simm.s32 $0xD100;
	s26 =	simm.s32 $0xD900  }
0x15: {  	vm0 =	vmmov $0xffff;
	v1 =	vshrl.u32 v2, $0x3;
	s4 =	sadd.s32 $0xA00, s4;
	[dreg:$0x5] =	wrdreg s18;
	s18 =	simm.s32 $0x9900  }
0x16: {  	v0 =	vand.u32 $0x7, v2;
	v2 =	vor.u32 $0x8, v2;
	v1 =	vmul.u32 $0x8, v1;
	[dreg:$0x4] =	wrdreg s4;
	s4 =	smax.u32 s2, $0x1;
	s2 =	simm.s32 $0x1  }
.LBB2_1:
0x17: {  	s0 =	rddreg [dreg:$0x4]  }
0x18: {  	[tilespmem:s3], [sflag:$0x2] =	stream.linear.gather [hbm4b:s0+s3], $0x100, $0x38;
	[tilespmem:$0x10100] =	vst v63  }
0x19: {  	_ =	swait.ge [sflag:s5], $0x100  }
0x1a: {  	[sflag:s5] =	ssyncset.done $0x0  }
0x1b: {  	[sflag:s5] =	ssyncadd.s32 $0xFFFFFF00  }
0x1c: {  	v3 =	vld [tilespmem:$0x0];
	_ =	sdelay $0x4  }
0x1d: {  	v4 =	vshll.u32 v3, $0x1  }
0x1e: {  	v3 =	vand.u32 $0x7, v3;
	v4 =	vand.u32 $0xFFFFFFF0, v4  }
0x1f: {  	v3 =	vor.u32 v3, v4  }
0x20: {  	v4 =	vperm.xlane v3, v0;
	_ =	sdelay $0x1  }
0x21: {  	v3 =	vperm.xlane v3, v2;
	v4 =	vadd.s32 v1, v4;
	_ =	sdelay $0x1  }
0x22: {  	v3 =	vadd.s32 v1, v3;
	_ =	sdelay $0x2  }
0x23: {  	[tilespmem:s6], [sflag:$0x1] =	stream.indirect_vreg.gather [hbm4b:s1+s3], $0x80, v4, vm0, $0xb8;
	[tilespmem:$0x10100] =	vst v63  }
0x24: {  	s7 =	rddreg [dreg:$0x6]  }
0x25: {  	[tilespmem:s7], [sflag:$0x1] =	stream.indirect_vreg.gather [hbm4b:s1+s3], $0x80, v3, vm0, $0xb8;
	[tilespmem:$0x10100] =	vst v63  }
0x26: {  	v3 =	vld [tilespmem:$0x10];
	_ =	sdelay $0x4  }
0x27: {  	v49 =	vshll.u32 v3, $0x1  }
0x28: {  	v3 =	vand.u32 $0x7, v3;
	v4 =	vand.u32 $0xFFFFFFF0, v49  }
0x29: {  	v3 =	vor.u32 v3, v4  }
0x2a: {  	v4 =	vperm.xlane v3, v0;
	_ =	sdelay $0x1  }
0x2b: {  	v3 =	vperm.xlane v3, v2;
	v4 =	vadd.s32 v1, v4;
	_ =	sdelay $0x1  }
0x2c: {  	v3 =	vadd.s32 v1, v3;
	_ =	sdelay $0x1  }
0x2d: {  	s0 =	rddreg [dreg:$0x7]  }
0x2e: {  	[tilespmem:s0], [sflag:$0x1] =	stream.indirect_vreg.gather [hbm4b:s1+s3], $0x80, v4, vm0, $0xb8;
	[tilespmem:$0x10100] =	vst v63  }
0x2f: {  	s7 =	rddreg [dreg:$0x8]  }
0x30: {  	[tilespmem:s7], [sflag:$0x1] =	stream.indirect_vreg.gather [hbm4b:s1+s3], $0x80, v3, vm0, $0xb8;
	[tilespmem:$0x10100] =	vst v63  }
0x31: {  	v3 =	vld [tilespmem:$0x20];
	_ =	sdelay $0x4  }
0x32: {  	v50 =	vshll.u32 v3, $0x1  }
0x33: {  	v3 =	vand.u32 $0x7, v3;
	v4 =	vand.u32 $0xFFFFFFF0, v50  }
0x34: {  	v3 =	vor.u32 v3, v4  }
0x35: {  	v4 =	vperm.xlane v3, v0;
	_ =	sdelay $0x1  }
0x36: {  	v3 =	vperm.xlane v3, v2;
	v4 =	vadd.s32 v1, v4;
	_ =	sdelay $0x1  }
0x37: {  	v3 =	vadd.s32 v1, v3;
	_ =	sdelay $0x1  }
0x38: {  	s0 =	rddreg [dreg:$0x9]  }
0x39: {  	[tilespmem:s0], [sflag:$0x1] =	stream.indirect_vreg.gather [hbm4b:s1+s3], $0x80, v4, vm0, $0xb8;
	[tilespmem:$0x10100] =	vst v63  }
0x3a: {  	s7 =	rddreg [dreg:$0xa]  }
0x3b: {  	[tilespmem:s7], [sflag:$0x1] =	stream.indirect_vreg.gather [hbm4b:s1+s3], $0x80, v3, vm0, $0xb8;
	[tilespmem:$0x10100] =	vst v63  }
0x3c: {  	v3 =	vld [tilespmem:$0x30];
	_ =	sdelay $0x4  }
0x3d: {  	v51 =	vshll.u32 v3, $0x1  }
0x3e: {  	v3 =	vand.u32 $0x7, v3;
	v4 =	vand.u32 $0xFFFFFFF0, v51  }
0x3f: {  	v3 =	vor.u32 v3, v4  }
0x40: {  	v4 =	vperm.xlane v3, v0;
	_ =	sdelay $0x1  }
0x41: {  	v3 =	vperm.xlane v3, v2;
	v4 =	vadd.s32 v1, v4;
	_ =	sdelay $0x1  }
0x42: {  	v3 =	vadd.s32 v1, v3;
	_ =	sdelay $0x1  }
0x43: {  	s0 =	rddreg [dreg:$0xb]  }
0x44: {  	[tilespmem:s0], [sflag:$0x1] =	stream.indirect_vreg.gather [hbm4b:s1+s3], $0x80, v4, vm0, $0xb8;
	[tilespmem:$0x10100] =	vst v63  }
0x45: {  	s7 =	rddreg [dreg:$0xc]  }
0x46: {  	[tilespmem:s7], [sflag:$0x1] =	stream.indirect_vreg.gather [hbm4b:s1+s3], $0x80, v3, vm0, $0xb8;
	[tilespmem:$0x10100] =	vst v63  }
0x47: {  	v3 =	vld [tilespmem:$0x40];
	_ =	sdelay $0x4  }
0x48: {  	v52 =	vshll.u32 v3, $0x1  }
0x49: {  	v3 =	vand.u32 $0x7, v3;
	v4 =	vand.u32 $0xFFFFFFF0, v52  }
0x4a: {  	v3 =	vor.u32 v3, v4  }
0x4b: {  	v4 =	vperm.xlane v3, v0;
	_ =	sdelay $0x1  }
0x4c: {  	v3 =	vperm.xlane v3, v2;
	v4 =	vadd.s32 v1, v4;
	_ =	sdelay $0x1  }
0x4d: {  	v3 =	vadd.s32 v1, v3;
	_ =	sdelay $0x1  }
0x4e: {  	s7 =	simm.s32 $0x4100  }
0x4f: {  	[tilespmem:s7], [sflag:$0x1] =	stream.indirect_vreg.gather [hbm4b:s1+s3], $0x80, v4, vm0, $0xb8;
	[tilespmem:$0x10100] =	vst v63  }
0x50: {  	_ = 	snop  }
0x51: {  	[tilespmem:s8], [sflag:$0x1] =	stream.indirect_vreg.gather [hbm4b:s1+s3], $0x80, v3, vm0, $0xb8;
	[tilespmem:$0x10100] =	vst v63  }
0x52: {  	v3 =	vld [tilespmem:$0x50];
	_ =	sdelay $0x4  }
0x53: {  	v53 =	vshll.u32 v3, $0x1  }
0x54: {  	v3 =	vand.u32 $0x7, v3;
	v4 =	vand.u32 $0xFFFFFFF0, v53  }
0x55: {  	v3 =	vor.u32 v3, v4  }
0x56: {  	v4 =	vperm.xlane v3, v0;
	_ =	sdelay $0x1  }
0x57: {  	v3 =	vperm.xlane v3, v2;
	v4 =	vadd.s32 v1, v4;
	_ =	sdelay $0x1  }
0x58: {  	v3 =	vadd.s32 v1, v3;
	_ =	sdelay $0x2  }
0x59: {  	[tilespmem:s9], [sflag:$0x1] =	stream.indirect_vreg.gather [hbm4b:s1+s3], $0x80, v4, vm0, $0xb8;
	[tilespmem:$0x10100] =	vst v63  }
0x5a: {  	_ = 	snop  }
0x5b: {  	[tilespmem:s10], [sflag:$0x1] =	stream.indirect_vreg.gather [hbm4b:s1+s3], $0x80, v3, vm0, $0xb8;
	[tilespmem:$0x10100] =	vst v63  }
0x5c: {  	v3 =	vld [tilespmem:$0x60];
	_ =	sdelay $0x4  }
0x5d: {  	v54 =	vshll.u32 v3, $0x1  }
0x5e: {  	v3 =	vand.u32 $0x7, v3;
	v4 =	vand.u32 $0xFFFFFFF0, v54  }
0x5f: {  	v3 =	vor.u32 v3, v4  }
0x60: {  	v4 =	vperm.xlane v3, v0;
	_ =	sdelay $0x1  }
0x61: {  	v3 =	vperm.xlane v3, v2;
	v4 =	vadd.s32 v1, v4;
	_ =	sdelay $0x1  }
0x62: {  	v3 =	vadd.s32 v1, v3;
	_ =	sdelay $0x2  }
0x63: {  	[tilespmem:s11], [sflag:$0x1] =	stream.indirect_vreg.gather [hbm4b:s1+s3], $0x80, v4, vm0, $0xb8;
	[tilespmem:$0x10100] =	vst v63  }
0x64: {  	_ = 	snop  }
0x65: {  	[tilespmem:s12], [sflag:$0x1] =	stream.indirect_vreg.gather [hbm4b:s1+s3], $0x80, v3, vm0, $0xb8;
	[tilespmem:$0x10100] =	vst v63  }
0x66: {  	v3 =	vld [tilespmem:$0x70];
	_ =	sdelay $0x4  }
0x67: {  	v55 =	vshll.u32 v3, $0x1  }
0x68: {  	v3 =	vand.u32 $0x7, v3;
	v4 =	vand.u32 $0xFFFFFFF0, v55  }
0x69: {  	v3 =	vor.u32 v3, v4  }
0x6a: {  	v4 =	vperm.xlane v3, v0;
	_ =	sdelay $0x1  }
0x6b: {  	v3 =	vperm.xlane v3, v2;
	v4 =	vadd.s32 v1, v4;
	_ =	sdelay $0x1  }
0x6c: {  	v3 =	vadd.s32 v1, v3;
	_ =	sdelay $0x2  }
0x6d: {  	[tilespmem:s13], [sflag:$0x1] =	stream.indirect_vreg.gather [hbm4b:s1+s3], $0x80, v4, vm0, $0xb8;
	[tilespmem:$0x10100] =	vst v63  }
0x6e: {  	_ = 	snop  }
0x6f: {  	[tilespmem:s14], [sflag:$0x1] =	stream.indirect_vreg.gather [hbm4b:s1+s3], $0x80, v3, vm0, $0xb8;
	[tilespmem:$0x10100] =	vst v63  }
0x70: {  	v3 =	vld [tilespmem:$0x80];
	_ =	sdelay $0x4  }
0x71: {  	v56 =	vshll.u32 v3, $0x1  }
0x72: {  	v3 =	vand.u32 $0x7, v3;
	v4 =	vand.u32 $0xFFFFFFF0, v56  }
0x73: {  	v3 =	vor.u32 v3, v4  }
0x74: {  	v4 =	vperm.xlane v3, v0;
	_ =	sdelay $0x1  }
0x75: {  	v3 =	vperm.xlane v3, v2;
	v4 =	vadd.s32 v1, v4;
	_ =	sdelay $0x1  }
0x76: {  	v3 =	vadd.s32 v1, v3;
	_ =	sdelay $0x2  }
0x77: {  	[tilespmem:s15], [sflag:$0x1] =	stream.indirect_vreg.gather [hbm4b:s1+s3], $0x80, v4, vm0, $0xb8;
	[tilespmem:$0x10100] =	vst v63  }
0x78: {  	_ = 	snop  }
0x79: {  	[tilespmem:s16], [sflag:$0x1] =	stream.indirect_vreg.gather [hbm4b:s1+s3], $0x80, v3, vm0, $0xb8;
	[tilespmem:$0x10100] =	vst v63  }
0x7a: {  	v3 =	vld [tilespmem:$0x90];
	_ =	sdelay $0x4  }
0x7b: {  	v57 =	vshll.u32 v3, $0x1  }
0x7c: {  	v3 =	vand.u32 $0x7, v3;
	v4 =	vand.u32 $0xFFFFFFF0, v57  }
0x7d: {  	v3 =	vor.u32 v3, v4  }
0x7e: {  	v4 =	vperm.xlane v3, v0;
	_ =	sdelay $0x1  }
0x7f: {  	v3 =	vperm.xlane v3, v2;
	v4 =	vadd.s32 v1, v4;
	_ =	sdelay $0x1  }
0x80: {  	v3 =	vadd.s32 v1, v3;
	_ =	sdelay $0x2  }
0x81: {  	[tilespmem:s17], [sflag:$0x1] =	stream.indirect_vreg.gather [hbm4b:s1+s3], $0x80, v4, vm0, $0xb8;
	[tilespmem:$0x10100] =	vst v63  }
0x82: {  	_ = 	snop  }
0x83: {  	[tilespmem:s18], [sflag:$0x1] =	stream.indirect_vreg.gather [hbm4b:s1+s3], $0x80, v3, vm0, $0xb8;
	[tilespmem:$0x10100] =	vst v63  }
0x84: {  	v3 =	vld [tilespmem:$0xA0];
	_ =	sdelay $0x4  }
0x85: {  	v58 =	vshll.u32 v3, $0x1  }
0x86: {  	v3 =	vand.u32 $0x7, v3;
	v4 =	vand.u32 $0xFFFFFFF0, v58  }
0x87: {  	v3 =	vor.u32 v3, v4  }
0x88: {  	v4 =	vperm.xlane v3, v0;
	_ =	sdelay $0x1  }
0x89: {  	v3 =	vperm.xlane v3, v2;
	v4 =	vadd.s32 v1, v4;
	_ =	sdelay $0x1  }
0x8a: {  	v3 =	vadd.s32 v1, v3;
	_ =	sdelay $0x2  }
0x8b: {  	[tilespmem:s19], [sflag:$0x1] =	stream.indirect_vreg.gather [hbm4b:s1+s3], $0x80, v4, vm0, $0xb8;
	[tilespmem:$0x10100] =	vst v63  }
0x8c: {  	_ = 	snop  }
0x8d: {  	[tilespmem:s20], [sflag:$0x1] =	stream.indirect_vreg.gather [hbm4b:s1+s3], $0x80, v3, vm0, $0xb8;
	[tilespmem:$0x10100] =	vst v63  }
0x8e: {  	v3 =	vld [tilespmem:$0xB0];
	_ =	sdelay $0x4  }
0x8f: {  	v59 =	vshll.u32 v3, $0x1  }
0x90: {  	v3 =	vand.u32 $0x7, v3;
	v4 =	vand.u32 $0xFFFFFFF0, v59  }
0x91: {  	v3 =	vor.u32 v3, v4  }
0x92: {  	v4 =	vperm.xlane v3, v0;
	_ =	sdelay $0x1  }
0x93: {  	v3 =	vperm.xlane v3, v2;
	v4 =	vadd.s32 v1, v4;
	_ =	sdelay $0x1  }
0x94: {  	v3 =	vadd.s32 v1, v3;
	_ =	sdelay $0x2  }
0x95: {  	[tilespmem:s21], [sflag:$0x1] =	stream.indirect_vreg.gather [hbm4b:s1+s3], $0x80, v4, vm0, $0xb8;
	[tilespmem:$0x10100] =	vst v63  }
0x96: {  	_ = 	snop  }
0x97: {  	[tilespmem:s22], [sflag:$0x1] =	stream.indirect_vreg.gather [hbm4b:s1+s3], $0x80, v3, vm0, $0xb8;
	[tilespmem:$0x10100] =	vst v63  }
0x98: {  	v3 =	vld [tilespmem:$0xC0];
	_ =	sdelay $0x4  }
0x99: {  	v60 =	vshll.u32 v3, $0x1  }
0x9a: {  	v3 =	vand.u32 $0x7, v3;
	v4 =	vand.u32 $0xFFFFFFF0, v60  }
0x9b: {  	v3 =	vor.u32 v3, v4  }
0x9c: {  	v4 =	vperm.xlane v3, v0;
	_ =	sdelay $0x1  }
0x9d: {  	v3 =	vperm.xlane v3, v2;
	v4 =	vadd.s32 v1, v4;
	_ =	sdelay $0x1  }
0x9e: {  	v3 =	vadd.s32 v1, v3;
	_ =	sdelay $0x2  }
0x9f: {  	[tilespmem:s23], [sflag:$0x1] =	stream.indirect_vreg.gather [hbm4b:s1+s3], $0x80, v4, vm0, $0xb8;
	[tilespmem:$0x10100] =	vst v63  }
0xa0: {  	_ = 	snop  }
0xa1: {  	[tilespmem:s24], [sflag:$0x1] =	stream.indirect_vreg.gather [hbm4b:s1+s3], $0x80, v3, vm0, $0xb8;
	[tilespmem:$0x10100] =	vst v63  }
0xa2: {  	v3 =	vld [tilespmem:$0xD0];
	_ =	sdelay $0x4  }
0xa3: {  	v61 =	vshll.u32 v3, $0x1  }
0xa4: {  	v3 =	vand.u32 $0x7, v3;
	v4 =	vand.u32 $0xFFFFFFF0, v61  }
0xa5: {  	v3 =	vor.u32 v3, v4  }
0xa6: {  	v4 =	vperm.xlane v3, v0;
	_ =	sdelay $0x1  }
0xa7: {  	v3 =	vperm.xlane v3, v2;
	v4 =	vadd.s32 v1, v4;
	_ =	sdelay $0x1  }
0xa8: {  	v3 =	vadd.s32 v1, v3;
	_ =	sdelay $0x2  }
0xa9: {  	[tilespmem:s25], [sflag:$0x1] =	stream.indirect_vreg.gather [hbm4b:s1+s3], $0x80, v4, vm0, $0xb8;
	[tilespmem:$0x10100] =	vst v63  }
0xaa: {  	_ = 	snop  }
0xab: {  	[tilespmem:s26], [sflag:$0x1] =	stream.indirect_vreg.gather [hbm4b:s1+s3], $0x80, v3, vm0, $0xb8;
	[tilespmem:$0x10100] =	vst v63  }
0xac: {  	v3 =	vld [tilespmem:$0xE0];
	_ =	sdelay $0x4  }
0xad: {  	v62 =	vshll.u32 v3, $0x1  }
0xae: {  	v3 =	vand.u32 $0x7, v3;
	v4 =	vand.u32 $0xFFFFFFF0, v62  }
0xaf: {  	v3 =	vor.u32 v3, v4  }
0xb0: {  	v4 =	vperm.xlane v3, v0;
	_ =	sdelay $0x1  }
0xb1: {  	v3 =	vperm.xlane v3, v2;
	v4 =	vadd.s32 v1, v4;
	_ =	sdelay $0x1  }
0xb2: {  	v3 =	vadd.s32 v1, v3;
	_ =	sdelay $0x2  }
0xb3: {  	[tilespmem:s28], [sflag:$0x1] =	stream.indirect_vreg.gather [hbm4b:s1+s3], $0x80, v4, vm0, $0xb8;
	[tilespmem:$0x10100] =	vst v63  }
0xb4: {  	_ = 	snop  }
0xb5: {  	[tilespmem:s29], [sflag:$0x1] =	stream.indirect_vreg.gather [hbm4b:s1+s3], $0x80, v3, vm0, $0xb8;
	[tilespmem:$0x10100] =	vst v63  }
0xb6: {  	v3 =	vld [tilespmem:$0xF0];
	_ =	sdelay $0x4  }
0xb7: {  	v63 =	vshll.u32 v3, $0x1  }
0xb8: {  	v3 =	vand.u32 $0x7, v3;
	v4 =	vand.u32 $0xFFFFFFF0, v63  }
0xb9: {  	v3 =	vor.u32 v3, v4  }
0xba: {  	v4 =	vperm.xlane v3, v0;
	_ =	sdelay $0x1  }
0xbb: {  	v3 =	vperm.xlane v3, v2;
	v4 =	vadd.s32 v1, v4;
	_ =	sdelay $0x1  }
0xbc: {  	v3 =	vadd.s32 v1, v3;
	_ =	sdelay $0x2  }
0xbd: {  	[tilespmem:s30], [sflag:$0x1] =	stream.indirect_vreg.gather [hbm4b:s1+s3], $0x80, v4, vm0, $0xb8;
	[tilespmem:$0x10100] =	vst v63  }
0xbe: {  	_ = 	snop  }
0xbf: {  	[tilespmem:s31], [sflag:$0x1] =	stream.indirect_vreg.gather [hbm4b:s1+s3], $0x80, v3, vm0, $0xb8;
	[tilespmem:$0x10100] =	vst v63  }
0xc0: {  	_ =	swait.ge [sflag:s2], $0x8000  }
0xc1: {  	[sflag:s2] =	ssyncset.done $0x0  }
0xc2: {  	[sflag:s2] =	ssyncadd.s32 $0xFFFF8000  }
0xc3: {  	_ =	swait.ge [sflag:s2], $0x8000  }
0xc4: {  	p0 =	sne.s32 s4, $0x1;
	[sflag:s2] =	ssyncset.done $0x0  }
.Ltmp0:
0xc5: {  	s7 =	rddreg [dreg:$0x5];
	[sflag:s2] =	ssyncadd.s32 $0xFFFF8000;
	(pc) =	sbr.rel @p0 .LBB2_1-.Ltmp0, $4  }
0xc6: {  	[hbm4b:s7+s3] =	stream.linear.scatter [tilespmem:s6], [sflag:$0x2], $0x10000, $0x38;
	[tilespmem:$0x10100] =	vst v63  }
0xc7: {  	_ =	swait.ge [sflag:s5], $0x10000  }
0xc8: {  	[sflag:s5] =	ssyncset.done $0x0  }
0xc9: {  	s4 =	sadd.s32 $0xFFFFFFFF, s4;
	[sflag:s5] =	ssyncadd.s32 $0xFFFF0000  }
0xca: {  	_ =	sfence.sel $0x180000  }
0xcb: {  	[bflag:$0x0] =	sbarrier.arrive $0xFFFF  }
0xcc: {  	_ =	strace $0x9000004A  }
0xcd: {  	s0 =	stileid.u32;
	[bflag:$0x2] =	sbarrier.arrive $0xFFFF  }
0xce: {  	p0 =	sne.s32 s0, $0x0;
	s0 =	rddreg [dreg:$0x3]  }
0xcf: {  	s0 =	sadd.s32 @!p0 $0x100000, s0  }
0xd0: {  	[sflag:s0] =	ssyncadd.tile.s32 @!p0 $0x1;
	_ =	shalt  }
.Lfunc_end2:
_tile_overlayer_lowered:
.L_overlay_start_2:
0xd1: {  	(tag) =	ssettag $0x2  }
0xd2: {  	s0 =	rddreg [dreg:$0x0];
	s2 =	stileid.u32  }
0xd3: {  	s1 =	rddreg [dreg:$0x1];
	p0 =	sne.s32 s2, $0x0  }
0xd4: {  	s3 =	rddreg [dreg:$0x2];
	[bflag:$0x3] =	sbarrier.arrive $0xFFFF;
	s2 =	simm.s32 @!p0 $0x1C02  }
0xd5: {  	[timem:s3], [sflag:s2] =	dma.local @!p0 [hbm:s0], s1  }
0xd6: {  	s0 =	simm.s32 @!p0 $0x2  }
0xd7: {  	_ =	swait.ge @!p0 [sflag:s0], s1  }
0xd8: {  	s1 =	ssub.s32 @!p0 $0x0, s1;
	[sflag:s0] =	ssyncset.done @!p0 $0x0  }
0xd9: {  	[sflag:s0] =	ssyncadd.s32 @!p0 s1  }
0xda: {  	[bflag:$0x3] =	sbarrier.arrive $0xFFFF  }
0xdb: {  	_ =	shalt  }

</sc_bundles>
